<compile_context>
chip_gen: v7x
topology: tpu7x:2x2x1
jax: 0.10.2.dev20260603
libtpu: 0.0.44.dev20260713+nightly
codegen_flags: <defaults>
</compile_context>

<pallas_src>
import functools

import jax
import jax.numpy as jnp
from jax import lax
from jax.experimental import pallas as pl
from jax.experimental.pallas import tpu as pltpu
from jax.experimental.pallas import tpu_sc as plsc

NC = 2
NS = 16
NW = NC * NS
LANES = 16
NBUF = 4


@functools.partial(jax.jit, static_argnums=(3, 4, 5, 6))
def _emb_lookup(x2d, table, pos, B, S, V, D):
    HS = S // 2
    seqs_per_w = B // NW

    mesh = plsc.VectorSubcoreMesh(core_axis_name="c", subcore_axis_name="s")

    @functools.partial(
        pl.kernel,
        out_type=jax.ShapeDtypeStruct((B, S, D), jnp.float32),
        mesh=mesh,
        scratch_types=[
            pltpu.VMEM((2 * seqs_per_w, HS), jnp.int32),
            pltpu.VMEM((S, D), jnp.float32),
            pltpu.VMEM((NBUF, S, D), jnp.float32),
            pltpu.SemaphoreType.DMA,
            pltpu.SemaphoreType.DMA,
        ],
        compiler_params=pltpu.CompilerParams(use_tc_tiling_on_sc=False),
    )
    def k(x_hbm, table_hbm, pos_hbm, out_hbm, idx_v, pos_v, rows_v, gsem, osem):
        wid = lax.axis_index("s") * NC + lax.axis_index("c")
        base_seq = wid * seqs_per_w
        pltpu.sync_copy(x_hbm.at[pl.ds(wid * 2 * seqs_per_w, 2 * seqs_per_w)], idx_v)
        pltpu.sync_copy(pos_hbm, pos_v)

        def gather_parts(i):
            slot = lax.rem(i, NBUF)
            return (
                (table_hbm.at[idx_v.at[2 * i]], rows_v.at[slot, pl.ds(0, HS)]),
                (table_hbm.at[idx_v.at[2 * i + 1]], rows_v.at[slot, pl.ds(HS, HS)]),
            )

        def store_parts(i):
            slot = lax.rem(i, NBUF)
            return rows_v.at[slot], out_hbm.at[base_seq + i]

        def start_gather(i):
            for src, dst in gather_parts(i):
                pltpu.async_copy(src, dst, gsem)

        for p in range(NBUF - 1):
            start_gather(p)

        @pl.loop(0, seqs_per_w)
        def _(i):
            slot = lax.rem(i, NBUF)
            for src, dst in gather_parts(i):
                pltpu.make_async_copy(src, dst, gsem).wait()

            @pl.when(i >= 1)
            def _():
                src, dst = store_parts(i - 1)
                pltpu.make_async_copy(src, dst, osem).wait()

            @pl.when(i + NBUF - 1 < seqs_per_w)
            def _():
                start_gather(i + NBUF - 1)

            @plsc.parallel_loop(0, S, unroll=4)
            def _(r):
                for d in range(0, D, LANES):
                    rows_v[slot, r, pl.ds(d, LANES)] = (
                        rows_v[slot, r, pl.ds(d, LANES)] + pos_v[r, pl.ds(d, LANES)])

            src, dst = store_parts(i)
            pltpu.async_copy(src, dst, osem)

        src, dst = store_parts(seqs_per_w - 1)
        pltpu.make_async_copy(src, dst, osem).wait()

    return k(x2d, table, pos)


def kernel(x, table, pos_enc):
    B, S = x.shape
    V, D = table.shape
    x2d = x.astype(jnp.int32).reshape(B * S // (S // 2), S // 2)
    pos = pos_enc[0, :S, :]
    return _emb_lookup(x2d, table, pos, B, S, V, D)

# --- scband reference (transcript-rebuilt; emitter-appended) ---
"""Pipeline reference for scband-embeddings-6648609374333 (READ-ONLY COPY).

The authoritative reference and input builder live on the scoring server;
editing this copy changes nothing except your own understanding.
"""

import jax, jax.numpy as jnp
import numpy as np
import math

VOCAB = 1000000
EMBED_DIM = 64
PADDING_IDX = 1
MAX_LEN = 5000
BATCH = 4096
SEQ_LEN = 200


def _create_positional_encoding(max_len, embedding_dim):
    pos_enc = np.zeros((max_len, embedding_dim), dtype=np.float32)
    position = np.arange(0, max_len, dtype=np.float32)[:, None]
    div_term = np.exp(np.arange(0, embedding_dim, 2).astype(np.float32) * (-math.log(10000.0) / embedding_dim))
    pos_enc[:, 0::2] = np.sin(position * div_term)
    pos_enc[:, 1::2] = np.cos(position * div_term)
    return jnp.asarray(pos_enc[None, :, :])  # (1, max_len, embedding_dim)


def setup_inputs(seed: int = 0) -> dict:
    key = jax.random.key(seed)
    k_idx, k_tab = jax.random.split(key)
    x = jax.random.randint(k_idx, (BATCH, SEQ_LEN), 0, VOCAB, dtype=jnp.int64 if jax.config.jax_enable_x64 else jnp.int32)
    # nn.Embedding default init: N(0, 1); padding_idx row zeroed
    table = jax.random.normal(k_tab, (VOCAB, EMBED_DIM), dtype=jnp.float32)
    table = table.at[PADDING_IDX].set(0.0)
    pos_enc = _create_positional_encoding(MAX_LEN, EMBED_DIM)
    return {"x": x, "table": table, "pos_enc": pos_enc}


def reference(x, table, pos_enc):
    # token embedding lookup (gather)
    token_embeddings = jnp.take(table, x, axis=0)  # (B, S, D)
    # scale=False -> no scaling
    seq_len = x.shape[1]
    position_embeddings = pos_enc[:, :seq_len, :]
    return token_embeddings + position_embeddings

if __name__ == "__main__":
    import jax
    _d = setup_inputs()
    print(jax.jit(kernel)(*tuple(_d.values())))

</pallas_src>

<mosaic_0001>
#map = affine_map<(d0, d1) -> (0, 0)>
#map1 = affine_map<(d0, d1) -> (0, 0, 0)>
module attributes {stable_mosaic.version = 14 : i64} {
  func.func @k(%arg0: i32, %arg1: i32, %arg2: memref<8192x100xi32, #tpu.memory_space<hbm>>, %arg3: memref<1000000x64xf32, #tpu.memory_space<hbm>>, %arg4: memref<200x64xf32, #tpu.memory_space<hbm>>, %arg5: memref<4096x200x64xf32, #tpu.memory_space<hbm>>, %arg6: memref<256x100xi32, #tpu.memory_space<vmem>>, %arg7: memref<200x64xf32, #tpu.memory_space<vmem>>, %arg8: memref<4x200x64xf32, #tpu.memory_space<vmem>>, %arg9: memref<!tpu.dma_semaphore, #tpu.memory_space<semaphore_mem>>, %arg10: memref<!tpu.dma_semaphore, #tpu.memory_space<semaphore_mem>>) attributes {dimension_semantics = [#tpu.dimension_semantics<core_parallel>, #tpu.dimension_semantics<subcore_parallel>], iteration_bounds = array<i64: 2, 16>, scalar_prefetch = 0 : i64, scratch_operands = 5 : i64, tpu.core_type = #tpu.core_type<sc_vector_subcore>, window_params = [{transform_indices = #map}, {transform_indices = #map}, {transform_indices = #map}, {transform_indices = #map1}]} {
    %mul3A = arith.constant 2 : i32
    %mul3A_0 = arith.muli %arg1, %mul3A : i32
    %add3A = arith.addi %mul3A_0, %arg0 : i32
    %mul3A_1 = arith.constant 128 : i32
    %mul3A_2 = arith.muli %add3A, %mul3A_1 : i32
    %mul3A_3 = arith.constant 2 : i32
    %mul3A_4 = arith.muli %add3A, %mul3A_3 : i32
    %mul3A_5 = arith.constant 128 : i32
    %mul3A_6 = arith.muli %mul3A_4, %mul3A_5 : i32
    "tpu.region"() ({
      %run_scoped3A = tpu.sem_alloc : memref<!tpu.dma_semaphore, #tpu.memory_space<semaphore_mem>>
      %dma_start3A_104 = arith.constant 0 : i32
      %dma_start3A_105 = tpu.memref_slice %arg2[%mul3A_6, %dma_start3A_104] : memref<8192x100xi32, #tpu.memory_space<hbm>> -> memref<256x100xi32, #tpu.memory_space<hbm>>
      %dma_start3A_106 = arith.constant 0 : i32
      %dma_start3A_107 = tpu.memref_slice %arg2[%mul3A_6, %dma_start3A_106] : memref<8192x100xi32, #tpu.memory_space<hbm>> -> memref<256x100xi32, #tpu.memory_space<hbm>>
      tpu.enqueue_dma source(%dma_start3A_107 : memref<256x100xi32, #tpu.memory_space<hbm>>) target(%arg6 : memref<256x100xi32, #tpu.memory_space<vmem>>) target_semaphore(%run_scoped3A : memref<!tpu.dma_semaphore, #tpu.memory_space<semaphore_mem>>)
      %dma_wait3A_108 = arith.constant 0 : i32
      %dma_wait3A_109 = tpu.memref_slice %arg2[%mul3A_6, %dma_wait3A_108] : memref<8192x100xi32, #tpu.memory_space<hbm>> -> memref<256x100xi32, #tpu.memory_space<hbm>>
      %dma_wait3A_110 = arith.constant 0 : i32
      %dma_wait3A_111 = tpu.memref_slice %arg2[%mul3A_6, %dma_wait3A_110] : memref<8192x100xi32, #tpu.memory_space<hbm>> -> memref<256x100xi32, #tpu.memory_space<hbm>>
      tpu.wait_dma2 semaphore(%run_scoped3A : memref<!tpu.dma_semaphore, #tpu.memory_space<semaphore_mem>>) src(%dma_wait3A_111 : memref<256x100xi32, #tpu.memory_space<hbm>>) dst(%arg6 : memref<256x100xi32, #tpu.memory_space<vmem>>)
      tpu.yield
    }) : () -> ()
    "tpu.region"() ({
      %run_scoped3A = tpu.sem_alloc : memref<!tpu.dma_semaphore, #tpu.memory_space<semaphore_mem>>
      tpu.enqueue_dma source(%arg4 : memref<200x64xf32, #tpu.memory_space<hbm>>) target(%arg7 : memref<200x64xf32, #tpu.memory_space<vmem>>) target_semaphore(%run_scoped3A : memref<!tpu.dma_semaphore, #tpu.memory_space<semaphore_mem>>)
      tpu.wait_dma2 semaphore(%run_scoped3A : memref<!tpu.dma_semaphore, #tpu.memory_space<semaphore_mem>>) src(%arg4 : memref<200x64xf32, #tpu.memory_space<hbm>>) dst(%arg7 : memref<200x64xf32, #tpu.memory_space<vmem>>)
      tpu.yield
    }) : () -> ()
    %rem3A = arith.constant 0 : i32
    %rem3A_7 = arith.constant 4 : i32
    %rem3A_8 = arith.remsi %rem3A, %rem3A_7 : i32
    %dma_start3A = arith.constant 0 : i32
    %dma_start3A_9 = arith.constant 0 : i32
    %dma_start3A_10 = arith.constant 0 : i32
    %dma_start3A_11 = tpu.memref_slice %arg8[%rem3A_8, %dma_start3A_9, %dma_start3A_10] : memref<4x200x64xf32, #tpu.memory_space<vmem>> -> memref<1x100x64xf32, #tpu.memory_space<vmem>>
    %dma_start3A_12 = tpu.memref_squeeze %dma_start3A_11 : memref<1x100x64xf32, #tpu.memory_space<vmem>> -> memref<100x64xf32, #tpu.memory_space<vmem>>
    %dma_start3A_13 = arith.constant 0 : i32
    %dma_start3A_14 = tpu.memref_slice %arg6[%dma_start3A, %dma_start3A_13] : memref<256x100xi32, #tpu.memory_space<vmem>> -> memref<1x100xi32, #tpu.memory_space<vmem>>
    %dma_start3A_15 = tpu.memref_squeeze %dma_start3A_14 : memref<1x100xi32, #tpu.memory_space<vmem>> -> memref<100xi32, #tpu.memory_space<vmem>>
    %dma_start3A_16 = arith.constant 0 : i32
    %dma_start3A_17 = arith.constant 0 : i32
    %dma_start3A_18 = tpu.memref_slice %arg3[%dma_start3A_16, %dma_start3A_17] : memref<1000000x64xf32, #tpu.memory_space<hbm>> -> memref<1000000x64xf32, #tpu.memory_space<hbm>>
    tpu.enqueue_indirect_dma source(%dma_start3A_18 : memref<1000000x64xf32, #tpu.memory_space<hbm>>) target(%dma_start3A_12 : memref<100x64xf32, #tpu.memory_space<vmem>>) offsets(%dma_start3A_15 : memref<100xi32, #tpu.memory_space<vmem>>) semaphore(%arg9 : memref<!tpu.dma_semaphore, #tpu.memory_space<semaphore_mem>>)
    %dma_start3A_19 = arith.constant 1 : i32
    %dma_start3A_20 = arith.constant 100 : i32
    %dma_start3A_21 = arith.constant 0 : i32
    %dma_start3A_22 = tpu.memref_slice %arg8[%rem3A_8, %dma_start3A_20, %dma_start3A_21] : memref<4x200x64xf32, #tpu.memory_space<vmem>> -> memref<1x100x64xf32, #tpu.memory_space<vmem>>
    %dma_start3A_23 = tpu.memref_squeeze %dma_start3A_22 : memref<1x100x64xf32, #tpu.memory_space<vmem>> -> memref<100x64xf32, #tpu.memory_space<vmem>>
    %dma_start3A_24 = arith.constant 0 : i32
    %dma_start3A_25 = tpu.memref_slice %arg6[%dma_start3A_19, %dma_start3A_24] : memref<256x100xi32, #tpu.memory_space<vmem>> -> memref<1x100xi32, #tpu.memory_space<vmem>>
    %dma_start3A_26 = tpu.memref_squeeze %dma_start3A_25 : memref<1x100xi32, #tpu.memory_space<vmem>> -> memref<100xi32, #tpu.memory_space<vmem>>
    %dma_start3A_27 = arith.constant 0 : i32
    %dma_start3A_28 = arith.constant 0 : i32
    %dma_start3A_29 = tpu.memref_slice %arg3[%dma_start3A_27, %dma_start3A_28] : memref<1000000x64xf32, #tpu.memory_space<hbm>> -> memref<1000000x64xf32, #tpu.memory_space<hbm>>
    tpu.enqueue_indirect_dma source(%dma_start3A_29 : memref<1000000x64xf32, #tpu.memory_space<hbm>>) target(%dma_start3A_23 : memref<100x64xf32, #tpu.memory_space<vmem>>) offsets(%dma_start3A_26 : memref<100xi32, #tpu.memory_space<vmem>>) semaphore(%arg9 : memref<!tpu.dma_semaphore, #tpu.memory_space<semaphore_mem>>)
    %rem3A_30 = arith.constant 1 : i32
    %rem3A_31 = arith.constant 4 : i32
    %rem3A_32 = arith.remsi %rem3A_30, %rem3A_31 : i32
    %dma_start3A_33 = arith.constant 2 : i32
    %dma_start3A_34 = arith.constant 0 : i32
    %dma_start3A_35 = arith.constant 0 : i32
    %dma_start3A_36 = tpu.memref_slice %arg8[%rem3A_32, %dma_start3A_34, %dma_start3A_35] : memref<4x200x64xf32, #tpu.memory_space<vmem>> -> memref<1x100x64xf32, #tpu.memory_space<vmem>>
    %dma_start3A_37 = tpu.memref_squeeze %dma_start3A_36 : memref<1x100x64xf32, #tpu.memory_space<vmem>> -> memref<100x64xf32, #tpu.memory_space<vmem>>
    %dma_start3A_38 = arith.constant 0 : i32
    %dma_start3A_39 = tpu.memref_slice %arg6[%dma_start3A_33, %dma_start3A_38] : memref<256x100xi32, #tpu.memory_space<vmem>> -> memref<1x100xi32, #tpu.memory_space<vmem>>
    %dma_start3A_40 = tpu.memref_squeeze %dma_start3A_39 : memref<1x100xi32, #tpu.memory_space<vmem>> -> memref<100xi32, #tpu.memory_space<vmem>>
    %dma_start3A_41 = arith.constant 0 : i32
    %dma_start3A_42 = arith.constant 0 : i32
    %dma_start3A_43 = tpu.memref_slice %arg3[%dma_start3A_41, %dma_start3A_42] : memref<1000000x64xf32, #tpu.memory_space<hbm>> -> memref<1000000x64xf32, #tpu.memory_space<hbm>>
    tpu.enqueue_indirect_dma source(%dma_start3A_43 : memref<1000000x64xf32, #tpu.memory_space<hbm>>) target(%dma_start3A_37 : memref<100x64xf32, #tpu.memory_space<vmem>>) offsets(%dma_start3A_40 : memref<100xi32, #tpu.memory_space<vmem>>) semaphore(%arg9 : memref<!tpu.dma_semaphore, #tpu.memory_space<semaphore_mem>>)
    %dma_start3A_44 = arith.constant 3 : i32
    %dma_start3A_45 = arith.constant 100 : i32
    %dma_start3A_46 = arith.constant 0 : i32
    %dma_start3A_47 = tpu.memref_slice %arg8[%rem3A_32, %dma_start3A_45, %dma_start3A_46] : memref<4x200x64xf32, #tpu.memory_space<vmem>> -> memref<1x100x64xf32, #tpu.memory_space<vmem>>
    %dma_start3A_48 = tpu.memref_squeeze %dma_start3A_47 : memref<1x100x64xf32, #tpu.memory_space<vmem>> -> memref<100x64xf32, #tpu.memory_space<vmem>>
    %dma_start3A_49 = arith.constant 0 : i32
    %dma_start3A_50 = tpu.memref_slice %arg6[%dma_start3A_44, %dma_start3A_49] : memref<256x100xi32, #tpu.memory_space<vmem>> -> memref<1x100xi32, #tpu.memory_space<vmem>>
    %dma_start3A_51 = tpu.memref_squeeze %dma_start3A_50 : memref<1x100xi32, #tpu.memory_space<vmem>> -> memref<100xi32, #tpu.memory_space<vmem>>
    %dma_start3A_52 = arith.constant 0 : i32
    %dma_start3A_53 = arith.constant 0 : i32
    %dma_start3A_54 = tpu.memref_slice %arg3[%dma_start3A_52, %dma_start3A_53] : memref<1000000x64xf32, #tpu.memory_space<hbm>> -> memref<1000000x64xf32, #tpu.memory_space<hbm>>
    tpu.enqueue_indirect_dma source(%dma_start3A_54 : memref<1000000x64xf32, #tpu.memory_space<hbm>>) target(%dma_start3A_48 : memref<100x64xf32, #tpu.memory_space<vmem>>) offsets(%dma_start3A_51 : memref<100xi32, #tpu.memory_space<vmem>>) semaphore(%arg9 : memref<!tpu.dma_semaphore, #tpu.memory_space<semaphore_mem>>)
    %rem3A_55 = arith.constant 2 : i32
    %rem3A_56 = arith.constant 4 : i32
    %rem3A_57 = arith.remsi %rem3A_55, %rem3A_56 : i32
    %dma_start3A_58 = arith.constant 4 : i32
    %dma_start3A_59 = arith.constant 0 : i32
    %dma_start3A_60 = arith.constant 0 : i32
    %dma_start3A_61 = tpu.memref_slice %arg8[%rem3A_57, %dma_start3A_59, %dma_start3A_60] : memref<4x200x64xf32, #tpu.memory_space<vmem>> -> memref<1x100x64xf32, #tpu.memory_space<vmem>>
    %dma_start3A_62 = tpu.memref_squeeze %dma_start3A_61 : memref<1x100x64xf32, #tpu.memory_space<vmem>> -> memref<100x64xf32, #tpu.memory_space<vmem>>
    %dma_start3A_63 = arith.constant 0 : i32
    %dma_start3A_64 = tpu.memref_slice %arg6[%dma_start3A_58, %dma_start3A_63] : memref<256x100xi32, #tpu.memory_space<vmem>> -> memref<1x100xi32, #tpu.memory_space<vmem>>
    %dma_start3A_65 = tpu.memref_squeeze %dma_start3A_64 : memref<1x100xi32, #tpu.memory_space<vmem>> -> memref<100xi32, #tpu.memory_space<vmem>>
    %dma_start3A_66 = arith.constant 0 : i32
    %dma_start3A_67 = arith.constant 0 : i32
    %dma_start3A_68 = tpu.memref_slice %arg3[%dma_start3A_66, %dma_start3A_67] : memref<1000000x64xf32, #tpu.memory_space<hbm>> -> memref<1000000x64xf32, #tpu.memory_space<hbm>>
    tpu.enqueue_indirect_dma source(%dma_start3A_68 : memref<1000000x64xf32, #tpu.memory_space<hbm>>) target(%dma_start3A_62 : memref<100x64xf32, #tpu.memory_space<vmem>>) offsets(%dma_start3A_65 : memref<100xi32, #tpu.memory_space<vmem>>) semaphore(%arg9 : memref<!tpu.dma_semaphore, #tpu.memory_space<semaphore_mem>>)
    %dma_start3A_69 = arith.constant 5 : i32
    %dma_start3A_70 = arith.constant 100 : i32
    %dma_start3A_71 = arith.constant 0 : i32
    %dma_start3A_72 = tpu.memref_slice %arg8[%rem3A_57, %dma_start3A_70, %dma_start3A_71] : memref<4x200x64xf32, #tpu.memory_space<vmem>> -> memref<1x100x64xf32, #tpu.memory_space<vmem>>
    %dma_start3A_73 = tpu.memref_squeeze %dma_start3A_72 : memref<1x100x64xf32, #tpu.memory_space<vmem>> -> memref<100x64xf32, #tpu.memory_space<vmem>>
    %dma_start3A_74 = arith.constant 0 : i32
    %dma_start3A_75 = tpu.memref_slice %arg6[%dma_start3A_69, %dma_start3A_74] : memref<256x100xi32, #tpu.memory_space<vmem>> -> memref<1x100xi32, #tpu.memory_space<vmem>>
    %dma_start3A_76 = tpu.memref_squeeze %dma_start3A_75 : memref<1x100xi32, #tpu.memory_space<vmem>> -> memref<100xi32, #tpu.memory_space<vmem>>
    %dma_start3A_77 = arith.constant 0 : i32
    %dma_start3A_78 = arith.constant 0 : i32
    %dma_start3A_79 = tpu.memref_slice %arg3[%dma_start3A_77, %dma_start3A_78] : memref<1000000x64xf32, #tpu.memory_space<hbm>> -> memref<1000000x64xf32, #tpu.memory_space<hbm>>
    tpu.enqueue_indirect_dma source(%dma_start3A_79 : memref<1000000x64xf32, #tpu.memory_space<hbm>>) target(%dma_start3A_73 : memref<100x64xf32, #tpu.memory_space<vmem>>) offsets(%dma_start3A_76 : memref<100xi32, #tpu.memory_space<vmem>>) semaphore(%arg9 : memref<!tpu.dma_semaphore, #tpu.memory_space<semaphore_mem>>)
    %scan3A = arith.constant 0 : i32
    %scan3A_80 = arith.constant 128 : i32
    %scan3A_81 = arith.addi %scan3A, %scan3A_80 : i32
    %scan3A_82 = arith.constant 1 : i32
    scf.for %scan3A_104 = %scan3A to %scan3A_81 step %scan3A_82  : i32 {
      %mul3A_105 = arith.constant 1 : i32
      %mul3A_106 = arith.muli %scan3A_104, %mul3A_105 : i32
      %add3A_107 = arith.constant 0 : i32
      %add3A_108 = arith.addi %add3A_107, %mul3A_106 : i32
      %rem3A_109 = arith.constant 4 : i32
      %rem3A_110 = arith.remsi %add3A_108, %rem3A_109 : i32
      %rem3A_111 = arith.constant 4 : i32
      %rem3A_112 = arith.remsi %add3A_108, %rem3A_111 : i32
      %mul3A_113 = arith.constant 2 : i32
      %mul3A_114 = arith.muli %mul3A_113, %add3A_108 : i32
      %mul3A_115 = arith.constant 2 : i32
      %mul3A_116 = arith.muli %mul3A_115, %add3A_108 : i32
      %add3A_117 = arith.constant 1 : i32
      %add3A_118 = arith.addi %mul3A_116, %add3A_117 : i32
      %dma_wait3A_119 = arith.constant 0 : i32
      %dma_wait3A_120 = arith.constant 0 : i32
      %dma_wait3A_121 = tpu.memref_slice %arg8[%rem3A_112, %dma_wait3A_119, %dma_wait3A_120] : memref<4x200x64xf32, #tpu.memory_space<vmem>> -> memref<1x100x64xf32, #tpu.memory_space<vmem>>
      %dma_wait3A_122 = tpu.memref_squeeze %dma_wait3A_121 : memref<1x100x64xf32, #tpu.memory_space<vmem>> -> memref<100x64xf32, #tpu.memory_space<vmem>>
      %dma_wait3A_123 = arith.constant 0 : i32
      %dma_wait3A_124 = tpu.memref_slice %arg6[%mul3A_114, %dma_wait3A_123] : memref<256x100xi32, #tpu.memory_space<vmem>> -> memref<1x100xi32, #tpu.memory_space<vmem>>
      %dma_wait3A_125 = tpu.memref_squeeze %dma_wait3A_124 : memref<1x100xi32, #tpu.memory_space<vmem>> -> memref<100xi32, #tpu.memory_space<vmem>>
      %dma_wait3A_126 = arith.constant 0 : i32
      %dma_wait3A_127 = arith.constant 0 : i32
      %dma_wait3A_128 = tpu.memref_slice %arg3[%dma_wait3A_126, %dma_wait3A_127] : memref<1000000x64xf32, #tpu.memory_space<hbm>> -> memref<1000000x64xf32, #tpu.memory_space<hbm>>
      tpu.wait_indirect_dma semaphore(%arg9 : memref<!tpu.dma_semaphore, #tpu.memory_space<semaphore_mem>>) src(%dma_wait3A_128 : memref<1000000x64xf32, #tpu.memory_space<hbm>>) dst(%dma_wait3A_122 : memref<100x64xf32, #tpu.memory_space<vmem>>)
      %dma_wait3A_129 = arith.constant 100 : i32
      %dma_wait3A_130 = arith.constant 0 : i32
      %dma_wait3A_131 = tpu.memref_slice %arg8[%rem3A_112, %dma_wait3A_129, %dma_wait3A_130] : memref<4x200x64xf32, #tpu.memory_space<vmem>> -> memref<1x100x64xf32, #tpu.memory_space<vmem>>
      %dma_wait3A_132 = tpu.memref_squeeze %dma_wait3A_131 : memref<1x100x64xf32, #tpu.memory_space<vmem>> -> memref<100x64xf32, #tpu.memory_space<vmem>>
      %dma_wait3A_133 = arith.constant 0 : i32
      %dma_wait3A_134 = tpu.memref_slice %arg6[%add3A_118, %dma_wait3A_133] : memref<256x100xi32, #tpu.memory_space<vmem>> -> memref<1x100xi32, #tpu.memory_space<vmem>>
      %dma_wait3A_135 = tpu.memref_squeeze %dma_wait3A_134 : memref<1x100xi32, #tpu.memory_space<vmem>> -> memref<100xi32, #tpu.memory_space<vmem>>
      %dma_wait3A_136 = arith.constant 0 : i32
      %dma_wait3A_137 = arith.constant 0 : i32
      %dma_wait3A_138 = tpu.memref_slice %arg3[%dma_wait3A_136, %dma_wait3A_137] : memref<1000000x64xf32, #tpu.memory_space<hbm>> -> memref<1000000x64xf32, #tpu.memory_space<hbm>>
      tpu.wait_indirect_dma semaphore(%arg9 : memref<!tpu.dma_semaphore, #tpu.memory_space<semaphore_mem>>) src(%dma_wait3A_138 : memref<1000000x64xf32, #tpu.memory_space<hbm>>) dst(%dma_wait3A_132 : memref<100x64xf32, #tpu.memory_space<vmem>>)
      %ge3A = arith.constant 1 : i32
      %ge3A_139 = arith.cmpi sge, %add3A_108, %ge3A : i32
      %convert_element_type3A = arith.extui %ge3A_139 : i1 to i32
      %cond3A = arith.constant 0 : i32
      %cond3A_140 = arith.cmpi ne, %convert_element_type3A, %cond3A : i32
      scf.if %cond3A_140 {
        %sub3A_169 = arith.constant 1 : i32
        %sub3A_170 = arith.subi %add3A_108, %sub3A_169 : i32
        %rem3A_171 = arith.constant 4 : i32
        %rem3A_172 = arith.remsi %sub3A_170, %rem3A_171 : i32
        %add3A_173 = arith.addi %mul3A_2, %sub3A_170 : i32
        %dma_wait3A_174 = arith.constant 0 : i32
        %dma_wait3A_175 = arith.constant 0 : i32
        %dma_wait3A_176 = tpu.memref_slice %arg8[%rem3A_172, %dma_wait3A_174, %dma_wait3A_175] : memref<4x200x64xf32, #tpu.memory_space<vmem>> -> memref<1x200x64xf32, #tpu.memory_space<vmem>>
        %dma_wait3A_177 = tpu.memref_squeeze %dma_wait3A_176 : memref<1x200x64xf32, #tpu.memory_space<vmem>> -> memref<200x64xf32, #tpu.memory_space<vmem>>
        %dma_wait3A_178 = arith.constant 0 : i32
        %dma_wait3A_179 = arith.constant 0 : i32
        %dma_wait3A_180 = tpu.memref_slice %arg5[%add3A_173, %dma_wait3A_178, %dma_wait3A_179] : memref<4096x200x64xf32, #tpu.memory_space<hbm>> -> memref<1x200x64xf32, #tpu.memory_space<hbm>>
        %dma_wait3A_181 = tpu.memref_squeeze %dma_wait3A_180 : memref<1x200x64xf32, #tpu.memory_space<hbm>> -> memref<200x64xf32, #tpu.memory_space<hbm>>
        %dma_wait3A_182 = arith.constant 0 : i32
        %dma_wait3A_183 = arith.constant 0 : i32
        %dma_wait3A_184 = tpu.memref_slice %arg5[%add3A_173, %dma_wait3A_182, %dma_wait3A_183] : memref<4096x200x64xf32, #tpu.memory_space<hbm>> -> memref<1x200x64xf32, #tpu.memory_space<hbm>>
        %dma_wait3A_185 = tpu.memref_squeeze %dma_wait3A_184 : memref<1x200x64xf32, #tpu.memory_space<hbm>> -> memref<200x64xf32, #tpu.memory_space<hbm>>
        %dma_wait3A_186 = arith.constant 0 : i32
        %dma_wait3A_187 = arith.constant 0 : i32
        %dma_wait3A_188 = tpu.memref_slice %arg8[%rem3A_172, %dma_wait3A_186, %dma_wait3A_187] : memref<4x200x64xf32, #tpu.memory_space<vmem>> -> memref<1x200x64xf32, #tpu.memory_space<vmem>>
        %dma_wait3A_189 = tpu.memref_squeeze %dma_wait3A_188 : memref<1x200x64xf32, #tpu.memory_space<vmem>> -> memref<200x64xf32, #tpu.memory_space<vmem>>
        tpu.wait_dma2 semaphore(%arg10 : memref<!tpu.dma_semaphore, #tpu.memory_space<semaphore_mem>>) src(%dma_wait3A_189 : memref<200x64xf32, #tpu.memory_space<vmem>>) dst(%dma_wait3A_185 : memref<200x64xf32, #tpu.memory_space<hbm>>)
      } else {
      }
      %add3A_141 = arith.constant 4 : i32
      %add3A_142 = arith.addi %add3A_108, %add3A_141 : i32
      %sub3A = arith.constant 1 : i32
      %sub3A_143 = arith.subi %add3A_142, %sub3A : i32
      %lt3A = arith.constant 128 : i32
      %lt3A_144 = arith.cmpi slt, %sub3A_143, %lt3A : i32
      %convert_element_type3A_145 = arith.extui %lt3A_144 : i1 to i32
      %cond3A_146 = arith.constant 0 : i32
      %cond3A_147 = arith.cmpi ne, %convert_element_type3A_145, %cond3A_146 : i32
      scf.if %cond3A_147 {
        %add3A_169 = arith.constant 4 : i32
        %add3A_170 = arith.addi %add3A_108, %add3A_169 : i32
        %sub3A_171 = arith.constant 1 : i32
        %sub3A_172 = arith.subi %add3A_170, %sub3A_171 : i32
        %rem3A_173 = arith.constant 4 : i32
        %rem3A_174 = arith.remsi %sub3A_172, %rem3A_173 : i32
        %mul3A_175 = arith.constant 2 : i32
        %mul3A_176 = arith.muli %mul3A_175, %sub3A_172 : i32
        %mul3A_177 = arith.constant 2 : i32
        %mul3A_178 = arith.muli %mul3A_177, %sub3A_172 : i32
        %add3A_179 = arith.constant 1 : i32
        %add3A_180 = arith.addi %mul3A_178, %add3A_179 : i32
        %dma_start3A_181 = arith.constant 0 : i32
        %dma_start3A_182 = arith.constant 0 : i32
        %dma_start3A_183 = tpu.memref_slice %arg8[%rem3A_174, %dma_start3A_181, %dma_start3A_182] : memref<4x200x64xf32, #tpu.memory_space<vmem>> -> memref<1x100x64xf32, #tpu.memory_space<vmem>>
        %dma_start3A_184 = tpu.memref_squeeze %dma_start3A_183 : memref<1x100x64xf32, #tpu.memory_space<vmem>> -> memref<100x64xf32, #tpu.memory_space<vmem>>
        %dma_start3A_185 = arith.constant 0 : i32
        %dma_start3A_186 = tpu.memref_slice %arg6[%mul3A_176, %dma_start3A_185] : memref<256x100xi32, #tpu.memory_space<vmem>> -> memref<1x100xi32, #tpu.memory_space<vmem>>
        %dma_start3A_187 = tpu.memref_squeeze %dma_start3A_186 : memref<1x100xi32, #tpu.memory_space<vmem>> -> memref<100xi32, #tpu.memory_space<vmem>>
        %dma_start3A_188 = arith.constant 0 : i32
        %dma_start3A_189 = arith.constant 0 : i32
        %dma_start3A_190 = tpu.memref_slice %arg3[%dma_start3A_188, %dma_start3A_189] : memref<1000000x64xf32, #tpu.memory_space<hbm>> -> memref<1000000x64xf32, #tpu.memory_space<hbm>>
        tpu.enqueue_indirect_dma source(%dma_start3A_190 : memref<1000000x64xf32, #tpu.memory_space<hbm>>) target(%dma_start3A_184 : memref<100x64xf32, #tpu.memory_space<vmem>>) offsets(%dma_start3A_187 : memref<100xi32, #tpu.memory_space<vmem>>) semaphore(%arg9 : memref<!tpu.dma_semaphore, #tpu.memory_space<semaphore_mem>>)
        %dma_start3A_191 = arith.constant 100 : i32
        %dma_start3A_192 = arith.constant 0 : i32
        %dma_start3A_193 = tpu.memref_slice %arg8[%rem3A_174, %dma_start3A_191, %dma_start3A_192] : memref<4x200x64xf32, #tpu.memory_space<vmem>> -> memref<1x100x64xf32, #tpu.memory_space<vmem>>
        %dma_start3A_194 = tpu.memref_squeeze %dma_start3A_193 : memref<1x100x64xf32, #tpu.memory_space<vmem>> -> memref<100x64xf32, #tpu.memory_space<vmem>>
        %dma_start3A_195 = arith.constant 0 : i32
        %dma_start3A_196 = tpu.memref_slice %arg6[%add3A_180, %dma_start3A_195] : memref<256x100xi32, #tpu.memory_space<vmem>> -> memref<1x100xi32, #tpu.memory_space<vmem>>
        %dma_start3A_197 = tpu.memref_squeeze %dma_start3A_196 : memref<1x100xi32, #tpu.memory_space<vmem>> -> memref<100xi32, #tpu.memory_space<vmem>>
        %dma_start3A_198 = arith.constant 0 : i32
        %dma_start3A_199 = arith.constant 0 : i32
        %dma_start3A_200 = tpu.memref_slice %arg3[%dma_start3A_198, %dma_start3A_199] : memref<1000000x64xf32, #tpu.memory_space<hbm>> -> memref<1000000x64xf32, #tpu.memory_space<hbm>>
        tpu.enqueue_indirect_dma source(%dma_start3A_200 : memref<1000000x64xf32, #tpu.memory_space<hbm>>) target(%dma_start3A_194 : memref<100x64xf32, #tpu.memory_space<vmem>>) offsets(%dma_start3A_197 : memref<100xi32, #tpu.memory_space<vmem>>) semaphore(%arg9 : memref<!tpu.dma_semaphore, #tpu.memory_space<semaphore_mem>>)
      } else {
      }
      %parallel_loop3A = arith.constant 0 : i32
      %parallel_loop3A_148 = arith.constant 200 : i32
      %parallel_loop3A_149 = arith.constant 1 : i32
      scf.for %parallel_loop3A_169 = %parallel_loop3A to %parallel_loop3A_148 step %parallel_loop3A_149  : i32 {
        %parallel_loop3A_170 = arith.index_cast %rem3A_110 : i32 to index
        %parallel_loop3A_171 = arith.index_cast %parallel_loop3A_169 : i32 to index
        %parallel_loop3A_172 = arith.constant 0 : index
        %parallel_loop3A_173 = tpu.vector_load %arg8[%parallel_loop3A_170, %parallel_loop3A_171, %parallel_loop3A_172] {strides = array<i32>} : memref<4x200x64xf32, #tpu.memory_space<vmem>>, vector<1x1x16xf32>,
        %parallel_loop3A_174 = vector.shape_cast %parallel_loop3A_173 : vector<1x1x16xf32> to vector<16xf32>
        %parallel_loop3A_175 = arith.index_cast %parallel_loop3A_169 : i32 to index
        %parallel_loop3A_176 = arith.constant 0 : index
        %parallel_loop3A_177 = tpu.vector_load %arg7[%parallel_loop3A_175, %parallel_loop3A_176] {strides = array<i32>} : memref<200x64xf32, #tpu.memory_space<vmem>>, vector<1x16xf32>,
        %parallel_loop3A_178 = vector.shape_cast %parallel_loop3A_177 : vector<1x16xf32> to vector<16xf32>
        %parallel_loop3A_179 = arith.addf %parallel_loop3A_174, %parallel_loop3A_178 : vector<16xf32>
        %parallel_loop3A_180 = arith.index_cast %rem3A_110 : i32 to index
        %parallel_loop3A_181 = arith.index_cast %parallel_loop3A_169 : i32 to index
        %parallel_loop3A_182 = arith.constant 0 : index
        %parallel_loop3A_183 = tpu.vector_load %arg8[%parallel_loop3A_180, %parallel_loop3A_181, %parallel_loop3A_182] {strides = array<i32>} : memref<4x200x64xf32, #tpu.memory_space<vmem>>, vector<1x1x16xf32>,
        %parallel_loop3A_184 = vector.shape_cast %parallel_loop3A_183 : vector<1x1x16xf32> to vector<16xf32>
        %parallel_loop3A_185 = vector.shape_cast %parallel_loop3A_179 : vector<16xf32> to vector<1x1x16xf32>
        tpu.vector_store %arg8[%parallel_loop3A_180, %parallel_loop3A_181, %parallel_loop3A_182], %parallel_loop3A_185 {strides = array<i32>} : memref<4x200x64xf32, #tpu.memory_space<vmem>>, vector<1x1x16xf32>,
        %parallel_loop3A_186 = arith.index_cast %rem3A_110 : i32 to index
        %parallel_loop3A_187 = arith.index_cast %parallel_loop3A_169 : i32 to index
        %parallel_loop3A_188 = arith.constant 16 : index
        %parallel_loop3A_189 = tpu.vector_load %arg8[%parallel_loop3A_186, %parallel_loop3A_187, %parallel_loop3A_188] {strides = array<i32>} : memref<4x200x64xf32, #tpu.memory_space<vmem>>, vector<1x1x16xf32>,
        %parallel_loop3A_190 = vector.shape_cast %parallel_loop3A_189 : vector<1x1x16xf32> to vector<16xf32>
        %parallel_loop3A_191 = arith.index_cast %parallel_loop3A_169 : i32 to index
        %parallel_loop3A_192 = arith.constant 16 : index
        %parallel_loop3A_193 = tpu.vector_load %arg7[%parallel_loop3A_191, %parallel_loop3A_192] {strides = array<i32>} : memref<200x64xf32, #tpu.memory_space<vmem>>, vector<1x16xf32>,
        %parallel_loop3A_194 = vector.shape_cast %parallel_loop3A_193 : vector<1x16xf32> to vector<16xf32>
        %parallel_loop3A_195 = arith.addf %parallel_loop3A_190, %parallel_loop3A_194 : vector<16xf32>
        %parallel_loop3A_196 = arith.index_cast %rem3A_110 : i32 to index
        %parallel_loop3A_197 = arith.index_cast %parallel_loop3A_169 : i32 to index
        %parallel_loop3A_198 = arith.constant 16 : index
        %parallel_loop3A_199 = tpu.vector_load %arg8[%parallel_loop3A_196, %parallel_loop3A_197, %parallel_loop3A_198] {strides = array<i32>} : memref<4x200x64xf32, #tpu.memory_space<vmem>>, vector<1x1x16xf32>,
        %parallel_loop3A_200 = vector.shape_cast %parallel_loop3A_199 : vector<1x1x16xf32> to vector<16xf32>
        %parallel_loop3A_201 = vector.shape_cast %parallel_loop3A_195 : vector<16xf32> to vector<1x1x16xf32>
        tpu.vector_store %arg8[%parallel_loop3A_196, %parallel_loop3A_197, %parallel_loop3A_198], %parallel_loop3A_201 {strides = array<i32>} : memref<4x200x64xf32, #tpu.memory_space<vmem>>, vector<1x1x16xf32>,
        %parallel_loop3A_202 = arith.index_cast %rem3A_110 : i32 to index
        %parallel_loop3A_203 = arith.index_cast %parallel_loop3A_169 : i32 to index
        %parallel_loop3A_204 = arith.constant 32 : index
        %parallel_loop3A_205 = tpu.vector_load %arg8[%parallel_loop3A_202, %parallel_loop3A_203, %parallel_loop3A_204] {strides = array<i32>} : memref<4x200x64xf32, #tpu.memory_space<vmem>>, vector<1x1x16xf32>,
        %parallel_loop3A_206 = vector.shape_cast %parallel_loop3A_205 : vector<1x1x16xf32> to vector<16xf32>
        %parallel_loop3A_207 = arith.index_cast %parallel_loop3A_169 : i32 to index
        %parallel_loop3A_208 = arith.constant 32 : index
        %parallel_loop3A_209 = tpu.vector_load %arg7[%parallel_loop3A_207, %parallel_loop3A_208] {strides = array<i32>} : memref<200x64xf32, #tpu.memory_space<vmem>>, vector<1x16xf32>,
        %parallel_loop3A_210 = vector.shape_cast %parallel_loop3A_209 : vector<1x16xf32> to vector<16xf32>
        %parallel_loop3A_211 = arith.addf %parallel_loop3A_206, %parallel_loop3A_210 : vector<16xf32>
        %parallel_loop3A_212 = arith.index_cast %rem3A_110 : i32 to index
        %parallel_loop3A_213 = arith.index_cast %parallel_loop3A_169 : i32 to index
        %parallel_loop3A_214 = arith.constant 32 : index
        %parallel_loop3A_215 = tpu.vector_load %arg8[%parallel_loop3A_212, %parallel_loop3A_213, %parallel_loop3A_214] {strides = array<i32>} : memref<4x200x64xf32, #tpu.memory_space<vmem>>, vector<1x1x16xf32>,
        %parallel_loop3A_216 = vector.shape_cast %parallel_loop3A_215 : vector<1x1x16xf32> to vector<16xf32>
        %parallel_loop3A_217 = vector.shape_cast %parallel_loop3A_211 : vector<16xf32> to vector<1x1x16xf32>
        tpu.vector_store %arg8[%parallel_loop3A_212, %parallel_loop3A_213, %parallel_loop3A_214], %parallel_loop3A_217 {strides = array<i32>} : memref<4x200x64xf32, #tpu.memory_space<vmem>>, vector<1x1x16xf32>,
        %parallel_loop3A_218 = arith.index_cast %rem3A_110 : i32 to index
        %parallel_loop3A_219 = arith.index_cast %parallel_loop3A_169 : i32 to index
        %parallel_loop3A_220 = arith.constant 48 : index
        %parallel_loop3A_221 = tpu.vector_load %arg8[%parallel_loop3A_218, %parallel_loop3A_219, %parallel_loop3A_220] {strides = array<i32>} : memref<4x200x64xf32, #tpu.memory_space<vmem>>, vector<1x1x16xf32>,
        %parallel_loop3A_222 = vector.shape_cast %parallel_loop3A_221 : vector<1x1x16xf32> to vector<16xf32>
        %parallel_loop3A_223 = arith.index_cast %parallel_loop3A_169 : i32 to index
        %parallel_loop3A_224 = arith.constant 48 : index
        %parallel_loop3A_225 = tpu.vector_load %arg7[%parallel_loop3A_223, %parallel_loop3A_224] {strides = array<i32>} : memref<200x64xf32, #tpu.memory_space<vmem>>, vector<1x16xf32>,
        %parallel_loop3A_226 = vector.shape_cast %parallel_loop3A_225 : vector<1x16xf32> to vector<16xf32>
        %parallel_loop3A_227 = arith.addf %parallel_loop3A_222, %parallel_loop3A_226 : vector<16xf32>
        %parallel_loop3A_228 = arith.index_cast %rem3A_110 : i32 to index
        %parallel_loop3A_229 = arith.index_cast %parallel_loop3A_169 : i32 to index
        %parallel_loop3A_230 = arith.constant 48 : index
        %parallel_loop3A_231 = tpu.vector_load %arg8[%parallel_loop3A_228, %parallel_loop3A_229, %parallel_loop3A_230] {strides = array<i32>} : memref<4x200x64xf32, #tpu.memory_space<vmem>>, vector<1x1x16xf32>,
        %parallel_loop3A_232 = vector.shape_cast %parallel_loop3A_231 : vector<1x1x16xf32> to vector<16xf32>
        %parallel_loop3A_233 = vector.shape_cast %parallel_loop3A_227 : vector<16xf32> to vector<1x1x16xf32>
        tpu.vector_store %arg8[%parallel_loop3A_228, %parallel_loop3A_229, %parallel_loop3A_230], %parallel_loop3A_233 {strides = array<i32>} : memref<4x200x64xf32, #tpu.memory_space<vmem>>, vector<1x1x16xf32>,
      } {sc.loop_unroll_factor = 4 : i64, sc.parallel_access}
      %rem3A_150 = arith.constant 4 : i32
      %rem3A_151 = arith.remsi %add3A_108, %rem3A_150 : i32
      %add3A_152 = arith.addi %mul3A_2, %add3A_108 : i32
      %dma_start3A_153 = arith.constant 0 : i32
      %dma_start3A_154 = arith.constant 0 : i32
      %dma_start3A_155 = tpu.memref_slice %arg8[%rem3A_151, %dma_start3A_153, %dma_start3A_154] : memref<4x200x64xf32, #tpu.memory_space<vmem>> -> memref<1x200x64xf32, #tpu.memory_space<vmem>>
      %dma_start3A_156 = tpu.memref_squeeze %dma_start3A_155 : memref<1x200x64xf32, #tpu.memory_space<vmem>> -> memref<200x64xf32, #tpu.memory_space<vmem>>
      %dma_start3A_157 = arith.constant 0 : i32
      %dma_start3A_158 = arith.constant 0 : i32
      %dma_start3A_159 = tpu.memref_slice %arg5[%add3A_152, %dma_start3A_157, %dma_start3A_158] : memref<4096x200x64xf32, #tpu.memory_space<hbm>> -> memref<1x200x64xf32, #tpu.memory_space<hbm>>
      %dma_start3A_160 = tpu.memref_squeeze %dma_start3A_159 : memref<1x200x64xf32, #tpu.memory_space<hbm>> -> memref<200x64xf32, #tpu.memory_space<hbm>>
      %dma_start3A_161 = arith.constant 0 : i32
      %dma_start3A_162 = arith.constant 0 : i32
      %dma_start3A_163 = tpu.memref_slice %arg5[%add3A_152, %dma_start3A_161, %dma_start3A_162] : memref<4096x200x64xf32, #tpu.memory_space<hbm>> -> memref<1x200x64xf32, #tpu.memory_space<hbm>>
      %dma_start3A_164 = tpu.memref_squeeze %dma_start3A_163 : memref<1x200x64xf32, #tpu.memory_space<hbm>> -> memref<200x64xf32, #tpu.memory_space<hbm>>
      %dma_start3A_165 = arith.constant 0 : i32
      %dma_start3A_166 = arith.constant 0 : i32
      %dma_start3A_167 = tpu.memref_slice %arg8[%rem3A_151, %dma_start3A_165, %dma_start3A_166] : memref<4x200x64xf32, #tpu.memory_space<vmem>> -> memref<1x200x64xf32, #tpu.memory_space<vmem>>
      %dma_start3A_168 = tpu.memref_squeeze %dma_start3A_167 : memref<1x200x64xf32, #tpu.memory_space<vmem>> -> memref<200x64xf32, #tpu.memory_space<vmem>>
      tpu.enqueue_dma source(%dma_start3A_168 : memref<200x64xf32, #tpu.memory_space<vmem>>) target(%dma_start3A_164 : memref<200x64xf32, #tpu.memory_space<hbm>>) target_semaphore(%arg10 : memref<!tpu.dma_semaphore, #tpu.memory_space<semaphore_mem>>)
    }
    %scan3A_83 = arith.constant 128 : i32
    %rem3A_84 = arith.constant 127 : i32
    %rem3A_85 = arith.constant 4 : i32
    %rem3A_86 = arith.remsi %rem3A_84, %rem3A_85 : i32
    %add3A_87 = arith.constant 127 : i32
    %add3A_88 = arith.addi %mul3A_2, %add3A_87 : i32
    %dma_wait3A = arith.constant 0 : i32
    %dma_wait3A_89 = arith.constant 0 : i32
    %dma_wait3A_90 = tpu.memref_slice %arg8[%rem3A_86, %dma_wait3A, %dma_wait3A_89] : memref<4x200x64xf32, #tpu.memory_space<vmem>> -> memref<1x200x64xf32, #tpu.memory_space<vmem>>
    %dma_wait3A_91 = tpu.memref_squeeze %dma_wait3A_90 : memref<1x200x64xf32, #tpu.memory_space<vmem>> -> memref<200x64xf32, #tpu.memory_space<vmem>>
    %dma_wait3A_92 = arith.constant 0 : i32
    %dma_wait3A_93 = arith.constant 0 : i32
    %dma_wait3A_94 = tpu.memref_slice %arg5[%add3A_88, %dma_wait3A_92, %dma_wait3A_93] : memref<4096x200x64xf32, #tpu.memory_space<hbm>> -> memref<1x200x64xf32, #tpu.memory_space<hbm>>
    %dma_wait3A_95 = tpu.memref_squeeze %dma_wait3A_94 : memref<1x200x64xf32, #tpu.memory_space<hbm>> -> memref<200x64xf32, #tpu.memory_space<hbm>>
    %dma_wait3A_96 = arith.constant 0 : i32
    %dma_wait3A_97 = arith.constant 0 : i32
    %dma_wait3A_98 = tpu.memref_slice %arg5[%add3A_88, %dma_wait3A_96, %dma_wait3A_97] : memref<4096x200x64xf32, #tpu.memory_space<hbm>> -> memref<1x200x64xf32, #tpu.memory_space<hbm>>
    %dma_wait3A_99 = tpu.memref_squeeze %dma_wait3A_98 : memref<1x200x64xf32, #tpu.memory_space<hbm>> -> memref<200x64xf32, #tpu.memory_space<hbm>>
    %dma_wait3A_100 = arith.constant 0 : i32
    %dma_wait3A_101 = arith.constant 0 : i32
    %dma_wait3A_102 = tpu.memref_slice %arg8[%rem3A_86, %dma_wait3A_100, %dma_wait3A_101] : memref<4x200x64xf32, #tpu.memory_space<vmem>> -> memref<1x200x64xf32, #tpu.memory_space<vmem>>
    %dma_wait3A_103 = tpu.memref_squeeze %dma_wait3A_102 : memref<1x200x64xf32, #tpu.memory_space<vmem>> -> memref<200x64xf32, #tpu.memory_space<vmem>>
    tpu.wait_dma2 semaphore(%arg10 : memref<!tpu.dma_semaphore, #tpu.memory_space<semaphore_mem>>) src(%dma_wait3A_103 : memref<200x64xf32, #tpu.memory_space<vmem>>) dst(%dma_wait3A_99 : memref<200x64xf32, #tpu.memory_space<hbm>>)
    return
  }
}

</mosaic_0001>

<sc_bundles>
// kernel: _emb_lookup.3.cloned.1.call-start
scs
__scs_entry_jumppad:
0x0: {  	(pc) =	sbr.rel $0x88, $3  }
0x1: {  	(tag) =	ssettag $0x0;
	lr =	simm.s32 $0x1  }
0x2: {  	[smem:$0x3F9E] =	sst lr;
	_ =	strace $0xD0000000  }
0x3: {  	_ = 	snop  }
0x4: {  	_ = 	snop  }
0x5: {  	_ = 	snop  }
0x6: {  	_ = 	snop  }
0x7: {  	_ = 	snop  }
__scs_overlays_trampoline_lowered:
0x8: {  	[smem:$0x3FAD] =	sst s0  }
0x9: {  	[smem:$0x3FAE] =	sst s1  }
0xa: {  	[smem:$0x3FAF] =	sst s2  }
0xb: {  	[smem:$0x3FB0] =	sst s3  }
0xc: {  	[smem:$0x3FB1] =	sst s4  }
0xd: {  	[smem:$0x3FB2] =	sst s5  }
0xe: {  	[smem:$0x3FB3] =	sst s6  }
0xf: {  	[smem:$0x3FB4] =	sst s7  }
0x10: {  	[smem:$0x3FB5] =	sst s8  }
0x11: {  	[smem:$0x3FB6] =	sst s9;
	s0 =	simm.s32 @!p0 $0x0  }
0x12: {  	s1 =	sld [smem:$0x3F9C];
	s0 =	simm.s32 @p0 $0x1  }
0x13: {  	[smem:$0x3FB7] =	sst s0;
	s0 =	simm.s32 @!p1 $0x0  }
0x14: {  	s2 =	sld [smem:$0x3F9B];
	s0 =	simm.s32 @p1 $0x1  }
0x15: {  	[smem:$0x3FB8] =	sst s0;
	s0 =	simm.s32 @!p2 $0x0  }
0x16: {  	s3 =	sld [smem:$0x3FDB];
	s0 =	simm.s32 @p2 $0x1  }
0x17: {  	s4 =	simm.s32 $0x1BF5;
	[smem:$0x3FBA] =	sst s0  }
0x18: {  	s0 =	sld [smem:$0x3F9D];
	_ =	swait.ge [sflag:s4], $0x0  }
0x19: {  	s7 =	sld [smem:$0x3F9E]  }
0x1a: {  	s8 =	sadd.s32 $0xFFFFE003, lr  }
0x1b: {  	s9 =	sadd.s32 $0xFFFFFEF7, lr;
	s5 =	simm.s32 $0xFFFFFFFF;
	p2 =	slt.u32 s8, $0xFFFFF086  }
0x1c: {  	p1 =	slt.u32 s9, $0xF7A;
	s5 =	simm.s32 @!p2 $0x0  }
0x1d: {  	s5 =	simm.s32 @p1 $0x1;
	p0 =	seq.s32 s7, s2  }
0x1e: {  	s7 =	smul.u32 @!p0 $0xF7A, s2;
	p2 =	seq.s32 @!p0 s5, $0x0  }
0x1f: {  	s9 =	smul.u32 $0xF7A, s1;
	s8 =	simm.s32 @!p0 $0x1BF5;
	p2 =	por !p2, p0  }
0x20: {  	[sflag:s8] =	ssyncset.s32 @!p0 $0xFFFFF086;
	s6 =	sadd.s32 @!p0 s3, s7;
	s7 =	simm.s32 @!p0 $0x108  }
0x21: {  	s3 =	sadd.s32 s3, s9;
	s6 =	sadd.s32 @!p0 $0x88, s6;
	s7 =	simm.s32 @p2 $0x1082  }
0x22: {  	[simem:s7], [sflag:s8] =	dma.local @!p0 [hbm:s6], $0xF7A  }
0x23: {  	s9 =	sor.u32 $0xD0000000, s2;
	s6 =	simm.s32 $0x108;
	_ =	swait.ge @!p0 [sflag:s8], $0x0  }
0x24: {  	s3 =	sadd.s32 $0x88, s3;
	s6 =	simm.s32 @!p1 $0x1082;
	[sflag:s4] =	ssyncset.s32 $0xFFFFF086  }
0x25: {  	[simem:s6], [sflag:s4] =	dma.local [hbm:s3], $0xF7A  }
0x26: {  	[smem:$0x3F9E] =	sst s1;
	(tag) =	ssettag s2;
	_ =	strace s9  }
0x27: {  	s1 =	sld [smem:$0x3FAE]  }
0x28: {  	s2 =	sld [smem:$0x3FAF]  }
0x29: {  	s4 =	sld [smem:$0x3FB1]  }
0x2a: {  	p0 =	seq.s32 s5, $0x0;
	s5 =	sld [smem:$0x3FB2]  }
0x2b: {  	s6 =	sld [smem:$0x3FB3]  }
0x2c: {  	s7 =	sld [smem:$0x3FB4]  }
0x2d: {  	s3 =	simm.s32 $0x108;
	s8 =	sld [smem:$0x3FB5]  }
0x2e: {  	s3 =	simm.s32 @!p0 $0x1082;
	s9 =	sld [smem:$0x3FB6]  }
0x2f: {  	lr =	sadd.s32 s0, s3;
	s0 =	sld [smem:$0x3FAD]  }
0x30: {  	s3 =	sld [smem:$0x3FB0]  }
0x31: {  	[smem:$0x3FB9] =	sst s10  }
0x32: {  	s10 =	sld [smem:$0x3FB7];
	_ =	sdelay $0x3  }
0x33: {  	p0 =	seq.s32 s10, $0x1;
	s10 =	sld [smem:$0x3FB9];
	_ =	sdelay $0x3  }
0x34: {  	[smem:$0x3FB9] =	sst s10  }
0x35: {  	s10 =	sld [smem:$0x3FB8];
	_ =	sdelay $0x3  }
0x36: {  	p1 =	seq.s32 s10, $0x1;
	s10 =	sld [smem:$0x3FB9];
	_ =	sdelay $0x3  }
0x37: {  	[smem:$0x3FB9] =	sst s10  }
0x38: {  	s10 =	sld [smem:$0x3FBA]  }
0x39: {  	_ = 	snop;
	(pc) =	sbr.ind lr, $3  }
0x3a: {  	_ = 	snop  }
0x3b: {  	_ = 	snop  }
0x3c: {  	p2 =	seq.s32 s10, $0x1;
	s10 =	sld [smem:$0x3FB9]  }
0x3d: {  	_ =	shalt  }
0x3e: {  	_ =	shalt  }
0x3f: {  	_ =	shalt  }
0x40: {  	_ =	shalt  }
0x41: {  	_ =	shalt  }
0x42: {  	_ =	shalt  }
0x43: {  	_ =	shalt  }
0x44: {  	_ =	shalt  }
0x45: {  	_ =	shalt  }
0x46: {  	_ =	shalt  }
0x47: {  	_ =	shalt  }
0x48: {  	_ =	shalt  }
0x49: {  	_ =	shalt  }
0x4a: {  	_ =	shalt  }
0x4b: {  	_ =	shalt  }
0x4c: {  	_ =	shalt  }
0x4d: {  	_ =	shalt  }
0x4e: {  	_ =	shalt  }
0x4f: {  	_ =	shalt  }
0x50: {  	_ =	shalt  }
0x51: {  	_ =	shalt  }
0x52: {  	_ =	shalt  }
0x53: {  	_ =	shalt  }
0x54: {  	_ =	shalt  }
0x55: {  	_ =	shalt  }
0x56: {  	_ =	shalt  }
0x57: {  	_ =	shalt  }
0x58: {  	_ =	shalt  }
0x59: {  	_ =	shalt  }
0x5a: {  	_ =	shalt  }
0x5b: {  	_ =	shalt  }
0x5c: {  	_ =	shalt  }
0x5d: {  	_ =	shalt  }
0x5e: {  	_ =	shalt  }
0x5f: {  	_ =	shalt  }
0x60: {  	_ =	shalt  }
0x61: {  	_ =	shalt  }
0x62: {  	_ =	shalt  }
0x63: {  	_ =	shalt  }
0x64: {  	_ =	shalt  }
0x65: {  	_ =	shalt  }
0x66: {  	_ =	shalt  }
0x67: {  	_ =	shalt  }
0x68: {  	_ =	shalt  }
0x69: {  	_ =	shalt  }
0x6a: {  	_ =	shalt  }
0x6b: {  	_ =	shalt  }
0x6c: {  	_ =	shalt  }
0x6d: {  	_ =	shalt  }
0x6e: {  	_ =	shalt  }
0x6f: {  	_ =	shalt  }
0x70: {  	_ =	shalt  }
0x71: {  	_ =	shalt  }
0x72: {  	_ =	shalt  }
0x73: {  	_ =	shalt  }
0x74: {  	_ =	shalt  }
0x75: {  	_ =	shalt  }
0x76: {  	_ =	shalt  }
0x77: {  	_ =	shalt  }
0x78: {  	_ =	shalt  }
0x79: {  	_ =	shalt  }
0x7a: {  	_ =	shalt  }
0x7b: {  	_ =	shalt  }
0x7c: {  	_ =	shalt  }
0x7d: {  	_ =	shalt  }
0x7e: {  	_ =	shalt  }
0x7f: {  	_ =	shalt  }
0x80: {  	_ =	shalt  }
0x81: {  	_ =	shalt  }
0x82: {  	_ =	shalt  }
0x83: {  	_ =	shalt  }
0x84: {  	_ =	shalt  }
0x85: {  	_ =	shalt  }
0x86: {  	_ =	shalt  }
0x87: {  	_ =	shalt  }
.Lfunc_end0:
.L_simem_size_0:
called_computation.1_lowered:
.L_overlay_start_0:
0x88: {  	s2 =	sld [smem:$0x3FD9]  }
0x89: {  	s3 =	sld [smem:$0x3FFE];
	_ =	sdelay $0x1  }
0x8a: {  	s1 =	srdreg.scid  }
0x8b: {  	s0 =	sand.u32 $0x1, s1  }
0x8c: {  	s17 =	sshll.u32 s0, $0xA;
	s2 =	sadd.s32 s3, s2  }
0x8d: {  	s2 =	sadd.s32 s2, s17  }
0x8e: {  	[smem:$0x3FC5] =	sst s2  }
0x8f: {  	_ = 	snop  }
0x90: {  	s2 =	sld [smem:$0x3FD0];
	(tm) =	ssettm $0x1  }
0x91: {  	s18 =	sld [smem:$0x3FFB];
	_ =	sdelay $0x3  }
0x92: {  	_ =	strace s18  }
0x93: {  	s3 =	sld [smem:$0x3FFC];
	_ =	sdelay $0x3  }
0x94: {  	_ =	strace s3  }
0x95: {  	s3 =	sld [smem:$0x3FFD];
	_ =	sdelay $0x3  }
0x96: {  	_ =	strace s3  }
0x97: {  	_ =	strace $0x8FFFFFFF  }
0x98: {  	s19 =	sld [smem:$0x3FDB];
	_ =	sdelay $0x1  }
0x99: {  	s4 =	simm.s32 $_scs_section_size  }
0x9a: {  	s5 =	simm.s32 $_size__tile_overlayer_lowered;
	s6 =	simm.s32 $_tile_overlayer_lowered  }
0x9b: {  	s22 =	simm.s32 $0x1BFF;
	s21 =	sshll.u32 s6, $0x1;
	s3 =	sadd.s32 s4, s19  }
0x9c: {  	s7 =	simm.s32 $0x0;
	s20 =	sshll.u32 s5, $0x1;
	s5 =	sadd.s32 s21, s3  }
0x9d: {  	[timem:s7], [sflag:s22] =	dma.local [hbm:s5], s20  }
0x9e: {  	_ =	swait.ge [sflag:s22], s20  }
0x9f: {  	s4 =	ssub.s32 $0x0, s20;
	[sflag:s22] =	ssyncset.done $0x0  }
0xa0: {  	[sflag:s22] =	ssyncadd.s32 s4;
	_ =	sdelay $0x1  }
0xa1: {  	s23 =	simm.s32 $0x1B8B  }
0xa2: {  	_ =	swait.ge [sflag:s23], $0x1  }
0xa3: {  	[sflag:s23] =	ssyncset.done $0x0  }
0xa4: {  	s25 =	simm.s32 $0x1B8E;
	s24 =	sld [smem:$0x3FFE];
	[sflag:s23] =	ssyncadd.s32 $0xFFFFFFFF  }
0xa5: {  	s26 =	simm.s32 $execute0_lowered;
	[smem:$0x3FD2] =	sst s25  }
0xa6: {  	s5 =	sshll.u32 s26, $0x1;
	_ =	strace $0x80000046;
	[dreg:$0x1] =	wrdreg $0xFFFFFFFF  }
0xa7: {  	s28 =	simm.s32 $_size_execute0_lowered;
	s3 =	sadd.s32 s3, s5;
	[dreg:$0x0] =	wrdreg $0x0  }
0xa8: {  	s5 =	sshll.u32 s28, $0x1;
	[dreg:$0x2] =	wrdreg s3  }
0xa9: {  	[dreg:$0x3] =	wrdreg s5  }
0xaa: {  	[dreg:$0x4] =	wrdreg $0xC0  }
0xab: {  	_ =	task [dreg:s7], $0x5FFFF  }
0xac: {  	[dreg:$0x1] =	wrdreg $0xFFFFFFFF  }
0xad: {  	[dreg:$0x0] =	wrdreg $0x60  }
0xae: {  	[dreg:$0x2] =	wrdreg s24  }
0xaf: {  	[dreg:$0x3] =	wrdreg s2  }
0xb0: {  	[dreg:$0x4] =	wrdreg $0x9  }
0xb1: {  	_ =	task.clear_ibuf [dreg:s7], $0x5FFFF;
	_ =	strace $0x90000046  }
0xb2: {  	s29 =	simm.s32 $0x9;
	_ =	strace $0x80000048  }
0xb3: {  	_ =	swait.ge [sflag:s29], $0x1  }
0xb4: {  	[sflag:s29] =	ssyncadd.s32 $0xFFFFFFFF  }
0xb5: {  	_ =	strace $0x90000048  }
0xb6: {  	_ =	sfence  }
0xb7: {  	s30 =	sld [smem:$0x0];
	_ =	sdelay $0x2  }
0xb8: {  	s31 =	sshll.u32 s1, $0xD;
	s1 =	sshrl.u32 s1, $0x2  }
0xb9: {  	s3 =	sand.u32 $0x4000, s31;
	s1 =	sadd.s32 s1, s30  }
0xba: {  	s0 =	sor.u32 s3, s0;
	s1 =	sshll.u32 s1, $0x11  }
0xbb: {  	s0 =	sor.u32 s1, s0  }
0xbc: {  	s0 =	sadd.s32 $0x8F2B, s0  }
0xbd: {  	[sflag:s0] =	ssyncadd.remote.s32 $0x1  }
0xbe: {  	_ =	sfence.sel $0xFFFF  }
0xbf: {  	[dreg:$0x0] =	wrdreg $0xFFFFFFFF;
	(pc) =	sbr.abs _section_cstart, $3  }
0xc0: {  	[dreg:$0x1] =	wrdreg $0xFFFFFFFF  }
0xc1: {  	_ =	task.clear_ibuf [dreg:s7], $0x2FFFF;
	_ =	strace $0x9FFFFFFF  }
0xc2: {  	(tm) =	ssettm $0x7FFFFFFF  }
0xc3: {  	_ =	shalt  }
tec
execute0_lowered:
.L_overlay_start_1:
0x0: {  	(tag) =	ssettag $0x1  }
0x1: {  	s0 =	srdreg.scid  }
0x2: {  	s2 =	stileid.u32;
	s1 =	rddreg [dreg:$0x0];
	s9 =	simm.s32 $0x3  }
0x3: {  	s10 =	simm.s32 $0x6800;
	s11 =	simm.s32 $0x64;
	s12 =	simm.s32 $0x9A00  }
0x4: {  	s13 =	simm.s32 $0x68;
	s14 =	simm.s32 $0xB300;
	s15 =	simm.s32 $0xD0  }
0x5: {  	s16 =	simm.s32 $0xCC00;
	s17 =	simm.s32 $0x138;
	s18 =	simm.s32 $0xE500  }
0x6: {  	s19 =	simm.s32 $0x1A0;
	s20 =	simm.s32 $0xFE00;
	s21 =	simm.s32 $0x208  }
0x7: {  	s22 =	simm.s32 $0x11700;
	s23 =	simm.s32 $0x1;
	s24 =	simm.s32 $0x2  }
0x8: {  	s25 =	simm.s32 $0x0;
	s0 =	sand.u32 $0x1, s0;
	s3 =	sshll.u32 s2, $0x1  }
0x9: {  	s2 =	rddreg [dreg:$0x1];
	s5 =	sadd.s32 $0x1AC00, s1;
	s6 =	sor.u32 s0, s3  }
0xa: {  	s3 =	simm.s32 $0x0;
	s0 =	ssub.s32 $0x2, s0;
	s4 =	smul.u32 $0xD00, s6  }
0xb: {  	[smem:$0x7FF] =	sst s3;
	s31 =	sshrl.u32 s0, $0x1;
	s6 =	sshll.u32 s6, $0x7  }
0xc: {  	_ =	strace $0x80000047;
	s0 =	ssub.s32 s0, s31;
	s7 =	sadd.s32 s4, s1  }
0xd: {  	s4 =	sadd.s32 $0xF43000, s1;
	s8 =	smax.u32 s0, $0x1;
	s7 =	sadd.s32 $0xC00, s7  }
.LBB2_1:
0xe: {  	[tilespmem:s3], [sflag:$0x3] =	stream.linear.gather [hbm4b:s7+s3], $0x6800, $0x38;
	[tilespmem:$0x16200] =	vst v63  }
0xf: {  	_ =	swait.ge [sflag:s9], $0x6800  }
0x10: {  	[sflag:s9] =	ssyncset.done $0x0  }
0x11: {  	[sflag:s9] =	ssyncadd.s32 $0xFFFF9800  }
0x12: {  	[tilespmem:s10], [sflag:$0x3] =	stream.linear.gather [hbm4b:s5+s3], $0x3200, $0x38;
	[tilespmem:$0x16200] =	vst v63  }
0x13: {  	_ =	swait.ge [sflag:s9], $0x3200  }
0x14: {  	[sflag:s9] =	ssyncset.done $0x0  }
0x15: {  	[sflag:s9] =	ssyncadd.s32 $0xFFFFCE00  }
0x16: {  	[tilespmem:s12], [sflag:$0x1] =	stream.indirect.gather [hbm4b:s4+s11], $0x40, s3, s11, $0xb8;
	[tilespmem:$0x16200] =	vst v63  }
0x17: {  	_ = 	snop  }
0x18: {  	[tilespmem:s14], [sflag:$0x1] =	stream.indirect.gather [hbm4b:s4+s11], $0x40, s13, s11, $0xb8;
	[tilespmem:$0x16200] =	vst v63  }
0x19: {  	_ = 	snop  }
0x1a: {  	[tilespmem:s16], [sflag:$0x1] =	stream.indirect.gather [hbm4b:s4+s11], $0x40, s15, s11, $0xb8;
	[tilespmem:$0x16200] =	vst v63  }
0x1b: {  	_ = 	snop  }
0x1c: {  	[tilespmem:s18], [sflag:$0x1] =	stream.indirect.gather [hbm4b:s4+s11], $0x40, s17, s11, $0xb8;
	[tilespmem:$0x16200] =	vst v63  }
0x1d: {  	_ = 	snop  }
0x1e: {  	[tilespmem:s20], [sflag:$0x1] =	stream.indirect.gather [hbm4b:s4+s11], $0x40, s19, s11, $0xb8;
	[tilespmem:$0x16200] =	vst v63  }
0x1f: {  	s26 =	simm.s32 $0x0;
	s28 =	simm.s32 $0x0  }
0x20: {  	[tilespmem:s22], [sflag:$0x1] =	stream.indirect.gather [hbm4b:s4+s11], $0x40, s21, s11, $0xb8;
	[tilespmem:$0x16200] =	vst v63  }
.LBB2_2:
0x21: {  	_ =	swait.ge [sflag:s23], $0x1900  }
0x22: {  	[sflag:s23] =	ssyncset.done $0x0  }
0x23: {  	[sflag:s23] =	ssyncadd.s32 $0xFFFFE700  }
0x24: {  	_ =	swait.ge [sflag:s23], $0x1900  }
0x25: {  	p0 =	seq.s32 s28, $0x0;
	[sflag:s23] =	ssyncset.done $0x0  }
0x26: {  	s0 =	simm.s32 @!p0 $0x2;
	[sflag:s23] =	ssyncadd.s32 $0xFFFFE700  }
0x27: {  	p1 =	sgt.u32 @!p0 s28, $0x7C;
	_ =	swait.ge @!p0 [sflag:s0], $0x3200  }
0x28: {  	p1 =	por p0, !p1;
	[sflag:s0] =	ssyncset.done @!p0 $0x0  }
0x29: {  	[sflag:s0] =	ssyncadd.s32 @!p0 $0xFFFFCE00;
	s0 =	sadd.s32 @p1 $0x3, s28  }
0x2a: {  	s1 =	sand.u32 @p1 $0x3, s0  }
0x2b: {  	s1 =	smul.u32 @p1 $0xC800, s1  }
0x2c: {  	s0 =	smul.u32 @p1 $0x340, s0  }
0x2d: {  	s1 =	sshrl.u32 @p1 s1, $0x2  }
0x2e: {  	s0 =	sshra.s32 @p1 s0, $0x2;
	s29 =	sadd.s32 @p1 $0x9A00, s1  }
0x2f: {  	[tilespmem:s29], [sflag:$0x1] =	stream.indirect.gather @p1 [hbm4b:s4+s11], $0x40, s0, s11, $0xb8;
	[tilespmem:$0x16200] =	vst v63  }
0x30: {  	s1 =	sadd.s32 @p1 $0xB300, s1;
	s0 =	sadd.s32 @p1 $0x68, s0  }
0x31: {  	[tilespmem:s1], [sflag:$0x1] =	stream.indirect.gather @p1 [hbm4b:s4+s11], $0x40, s0, s11, $0xb8;
	[tilespmem:$0x16200] =	vst v63  }
0x32: {  	s1 =	sand.u32 $0x3, s26  }
0x33: {  	s0 =	smul.u32 $0xC800, s1;
	_ =	sdelay $0x1  }
0x34: {  	s30 =	simm.s32 $0x6880;
	s0 =	sshrl.u32 s0, $0x2  }
0x35: {  	v1 =	vld [tilespmem:s30+$0x40];
	s29 =	sadd.s32 $0x9A80, s0  }
0x36: {  	v0 =	vld [tilespmem:s29+$0x40]  }
0x37: {  	v3 =	vld [tilespmem:s30+$0xFFFFFFC0]  }
0x38: {  	v5 =	vld [tilespmem:s30+$0x0]  }
0x39: {  	v2 =	vld [tilespmem:s29+$0xFFFFFFC0]  }
0x3a: {  	v4 =	vld [tilespmem:s29+$0x0]  }
0x3b: {  	v6 =	vld [tilespmem:s29+$0xFFFFFF80];
	v0 =	vadd.f32 v1, v0  }
0x3c: {  	v1 =	vld [tilespmem:s30+$0xFFFFFF80]  }
0x3d: {  	[tilespmem:s29+$0x40] =	vst v0;
	v0 =	vld [tilespmem:s29+$0x50]  }
0x3e: {  	v2 =	vadd.f32 v3, v2;
	v3 =	vld [tilespmem:s30+$0x50]  }
0x3f: {  	v7 =	vld [tilespmem:s29+$0xFFFFFF90]  }
0x40: {  	[tilespmem:s29+$0xFFFFFFC0] =	vst v2;
	v2 =	vadd.f32 v5, v4;
	v4 =	vld [tilespmem:s29+$0xFFFFFFD0]  }
0x41: {  	v5 =	vld [tilespmem:s30+$0xFFFFFFD0];
	v1 =	vadd.f32 v1, v6  }
0x42: {  	[tilespmem:s29+$0x0] =	vst v2;
	v2 =	vld [tilespmem:s29+$0x10]  }
0x43: {  	v6 =	vld [tilespmem:s30+$0x10];
	[tilespmem:s29+$0xFFFFFF80] =	vst v1;
	v0 =	vadd.f32 v3, v0  }
0x44: {  	v1 =	vld [tilespmem:s30+$0xFFFFFF90]  }
0x45: {  	[tilespmem:s29+$0x50] =	vst v0;
	v0 =	vld [tilespmem:s29+$0x60]  }
0x46: {  	v3 =	vadd.f32 v5, v4;
	v4 =	vld [tilespmem:s30+$0x60]  }
0x47: {  	v5 =	vld [tilespmem:s29+$0xFFFFFFA0]  }
0x48: {  	[tilespmem:s29+$0xFFFFFFD0] =	vst v3;
	v2 =	vadd.f32 v6, v2;
	v3 =	vld [tilespmem:s29+$0xFFFFFFE0]  }
0x49: {  	v6 =	vld [tilespmem:s30+$0xFFFFFFE0];
	v1 =	vadd.f32 v1, v7  }
0x4a: {  	[tilespmem:s29+$0x10] =	vst v2;
	v2 =	vld [tilespmem:s29+$0x20]  }
0x4b: {  	v7 =	vld [tilespmem:s30+$0x20];
	[tilespmem:s29+$0xFFFFFF90] =	vst v1;
	v0 =	vadd.f32 v4, v0  }
0x4c: {  	v4 =	vld [tilespmem:s30+$0xFFFFFFA0]  }
0x4d: {  	v8 =	vld [tilespmem:s29+$0x70];
	[tilespmem:s29+$0x60] =	vst v0  }
0x4e: {  	v1 =	vadd.f32 v6, v3;
	v6 =	vld [tilespmem:s30+$0x70]  }
0x4f: {  	v0 =	vld [tilespmem:s29+$0xFFFFFFB0]  }
0x50: {  	s1 =	sand.u32 $0x3, s28;
	[tilespmem:s29+$0xFFFFFFE0] =	vst v1;
	v2 =	vadd.f32 v7, v2;
	v1 =	vld [tilespmem:s29+$0xFFFFFFF0]  }
0x51: {  	s0 =	smul.u32 $0xC800, s1;
	v3 =	vld [tilespmem:s30+$0xFFFFFFF0];
	v4 =	vadd.f32 v4, v5  }
0x52: {  	[tilespmem:s29+$0x20] =	vst v2;
	v2 =	vld [tilespmem:s29+$0x30]  }
0x53: {  	s0 =	sshrl.u32 s0, $0x2;
	[tilespmem:s29+$0xFFFFFFA0] =	vst v4;
	v4 =	vld [tilespmem:s30+$0x30];
	v6 =	vadd.f32 v6, v8  }
0x54: {  	s1 =	simm.s32 $0x0;
	s31 =	sadd.s32 $0x9A00, s0;
	s0 =	sadd.s32 $0x100, s29;
	v5 =	vld [tilespmem:s30+$0xFFFFFFB0]  }
.LBB2_3:
0x55: {  	v7 =	vld [tilespmem:s0+$0x40];
	[tilespmem:s29+$0x70] =	vst v6;
	s30 =	sadd.s32 $0x100, s30  }
0x56: {  	s1 =	sadd.s32 $0x4, s1;
	v6 =	vld [tilespmem:s30+$0x40];
	v1 =	vadd.f32 v3, v1  }
0x57: {  	p0 =	slt.u32 s1, $0xC4;
	v3 =	vld [tilespmem:s30+$0xFFFFFF80]  }
0x58: {  	v8 =	vld [tilespmem:s0+$0xFFFFFFC0];
	[tilespmem:s29+$0xFFFFFFF0] =	vst v1;
	v1 =	vadd.f32 v4, v2  }
0x59: {  	v2 =	vld [tilespmem:s30+$0xFFFFFFC0];
	v0 =	vadd.f32 v5, v0  }
0x5a: {  	v4 =	vld [tilespmem:s0+$0x0];
	[tilespmem:s29+$0x30] =	vst v1  }
0x5b: {  	v1 =	vld [tilespmem:s30+$0x0];
	v5 =	vadd.f32 v6, v7;
	[tilespmem:s29+$0xFFFFFFB0] =	vst v0;
	s29 =	smov.u32 s0  }
0x5c: {  	v0 =	vld [tilespmem:s0+$0xFFFFFF80]  }
0x5d: {  	[tilespmem:s0+$0x40] =	vst v5;
	v5 =	vld [tilespmem:s0+$0x50]  }
0x5e: {  	v2 =	vadd.f32 v2, v8;
	v6 =	vld [tilespmem:s30+$0x50]  }
0x5f: {  	v7 =	vld [tilespmem:s0+$0xFFFFFF90]  }
0x60: {  	[tilespmem:s0+$0xFFFFFFC0] =	vst v2;
	v2 =	vld [tilespmem:s0+$0xFFFFFFD0];
	v1 =	vadd.f32 v1, v4  }
0x61: {  	v0 =	vadd.f32 v3, v0;
	v3 =	vld [tilespmem:s30+$0xFFFFFFD0]  }
0x62: {  	[tilespmem:s0+$0x0] =	vst v1;
	v1 =	vld [tilespmem:s0+$0x10]  }
0x63: {  	[tilespmem:s0+$0xFFFFFF80] =	vst v0;
	v0 =	vld [tilespmem:s30+$0x10];
	v4 =	vadd.f32 v6, v5  }
0x64: {  	v5 =	vld [tilespmem:s30+$0xFFFFFF90]  }
0x65: {  	[tilespmem:s0+$0x50] =	vst v4;
	v4 =	vld [tilespmem:s0+$0x60]  }
0x66: {  	v2 =	vadd.f32 v3, v2;
	v3 =	vld [tilespmem:s30+$0x60]  }
0x67: {  	v6 =	vld [tilespmem:s0+$0xFFFFFFA0]  }
0x68: {  	[tilespmem:s0+$0xFFFFFFD0] =	vst v2;
	v2 =	vld [tilespmem:s0+$0xFFFFFFE0];
	v0 =	vadd.f32 v0, v1  }
0x69: {  	v1 =	vadd.f32 v5, v7;
	v5 =	vld [tilespmem:s30+$0xFFFFFFE0]  }
0x6a: {  	[tilespmem:s0+$0x10] =	vst v0;
	v7 =	vld [tilespmem:s0+$0x20]  }
0x6b: {  	[tilespmem:s0+$0xFFFFFF90] =	vst v1;
	v8 =	vld [tilespmem:s30+$0x20];
	v0 =	vadd.f32 v3, v4  }
0x6c: {  	v3 =	vld [tilespmem:s30+$0xFFFFFFA0]  }
0x6d: {  	[tilespmem:s0+$0x60] =	vst v0;
	v9 =	vld [tilespmem:s0+$0x70]  }
0x6e: {  	v1 =	vadd.f32 v5, v2;
	v5 =	vld [tilespmem:s30+$0x70]  }
0x6f: {  	v0 =	vld [tilespmem:s0+$0xFFFFFFB0]  }
.Ltmp0:
0x70: {  	[tilespmem:s0+$0xFFFFFFE0] =	vst v1;
	v1 =	vld [tilespmem:s0+$0xFFFFFFF0];
	v2 =	vadd.f32 v8, v7;
	(pc) =	sbr.rel @p0 .LBB2_3-.Ltmp0, $4  }
0x71: {  	v4 =	vadd.f32 v3, v6;
	v3 =	vld [tilespmem:s30+$0xFFFFFFF0]  }
0x72: {  	[tilespmem:s0+$0x20] =	vst v2;
	v2 =	vld [tilespmem:s0+$0x30]  }
0x73: {  	[tilespmem:s0+$0xFFFFFFA0] =	vst v4;
	v4 =	vld [tilespmem:s30+$0x30];
	v6 =	vadd.f32 v5, v9  }
0x74: {  	s0 =	sadd.s32 $0x100, s0;
	v5 =	vld [tilespmem:s30+$0xFFFFFFB0]  }
0x75: {  	_ = 	snop  }
0x76: {  	s0 =	sadd.s32 s6, s28;
	s28 =	sadd.s32 $0x1, s28  }
0x77: {  	v1 =	vadd.f32 v3, v1;
	p0 =	sne.s32 s28, $0x80  }
.Ltmp1:
0x78: {  	[tilespmem:s29+$0x70] =	vst v6;
	v2 =	vadd.f32 v4, v2;
	(pc) =	sbr.rel @p0 .LBB2_2-.Ltmp1, $4  }
0x79: {  	s0 =	smul.u32 $0x640, s0;
	[tilespmem:s29+$0xFFFFFFF0] =	vst v1;
	v0 =	vadd.f32 v5, v0  }
0x7a: {  	[tilespmem:s29+$0x30] =	vst v2  }
0x7b: {  	s26 =	sadd.s32 $0x1, s26;
	s0 =	sadd.s32 s2, s0;
	[tilespmem:s29+$0xFFFFFFB0] =	vst v0  }
0x7c: {  	[hbm4b:s0+s3] =	stream.linear.scatter [tilespmem:s31], [sflag:$0x2], $0x3200, $0x38;
	[tilespmem:$0x16200] =	vst v63  }
0x7d: {  	s25 =	sadd.s32 $0x1, s25  }
0x7e: {  	p0 =	sne.s32 s25, s8  }
.Ltmp2:
0x7f: {  	_ = 	snop;
	(pc) =	sbr.rel @p0 .LBB2_1-.Ltmp2, $4  }
0x80: {  	_ = 	snop  }
0x81: {  	_ =	swait.ge [sflag:s24], $0x3200  }
0x82: {  	[sflag:s24] =	ssyncset.done $0x0  }
0x83: {  	[sflag:s24] =	ssyncadd.s32 $0xFFFFCE00  }
0x84: {  	_ =	sfence.sel $0x180000  }
0x85: {  	[bflag:$0x0] =	sbarrier.arrive $0xFFFF  }
0x86: {  	_ =	strace $0x90000047  }
0x87: {  	s0 =	stileid.u32;
	[bflag:$0x2] =	sbarrier.arrive $0xFFFF  }
0x88: {  	p0 =	sne.s32 s0, $0x0;
	s0 =	rddreg [dreg:$0x2]  }
0x89: {  	s0 =	sadd.s32 @!p0 $0x100000, s0  }
0x8a: {  	[sflag:s0] =	ssyncadd.tile.s32 @!p0 $0x1;
	_ =	shalt  }
.Lfunc_end2:
_tile_overlayer_lowered:
.L_overlay_start_2:
0x8b: {  	(tag) =	ssettag $0x2  }
0x8c: {  	s0 =	rddreg [dreg:$0x0];
	s2 =	stileid.u32  }
0x8d: {  	s1 =	rddreg [dreg:$0x1];
	p0 =	sne.s32 s2, $0x0  }
0x8e: {  	s3 =	rddreg [dreg:$0x2];
	[bflag:$0x3] =	sbarrier.arrive $0xFFFF;
	s2 =	simm.s32 @!p0 $0x1C03  }
0x8f: {  	[timem:s3], [sflag:s2] =	dma.local @!p0 [hbm:s0], s1  }
0x90: {  	s0 =	simm.s32 @!p0 $0x3  }
0x91: {  	_ =	swait.ge @!p0 [sflag:s0], s1  }
0x92: {  	s1 =	ssub.s32 @!p0 $0x0, s1;
	[sflag:s0] =	ssyncset.done @!p0 $0x0  }
0x93: {  	[sflag:s0] =	ssyncadd.s32 @!p0 s1  }
0x94: {  	[bflag:$0x3] =	sbarrier.arrive $0xFFFF  }
0x95: {  	_ =	shalt  }

// kernel: sparse-core-data-format-call.cloned.1.call-start
scs
called_computation_lowered:
.L_overlay_start_0:
0x0: {  	s2 =	sld [smem:$0x3FD9]  }
0x1: {  	s3 =	sld [smem:$0x3FFE];
	_ =	sdelay $0x1  }
0x2: {  	s1 =	srdreg.scid  }
0x3: {  	s0 =	sand.u32 $0x1, s1  }
0x4: {  	s18 =	sshll.u32 s0, $0xA;
	s2 =	sadd.s32 s3, s2  }
0x5: {  	s2 =	sadd.s32 s2, s18  }
0x6: {  	[smem:$0x3FC5] =	sst s2  }
0x7: {  	_ = 	snop  }
0x8: {  	s2 =	sld [smem:$0x3FD0];
	(tm) =	ssettm $0x1  }
0x9: {  	s19 =	sld [smem:$0x3FFB];
	_ =	sdelay $0x3  }
0xa: {  	_ =	strace s19  }
0xb: {  	s3 =	sld [smem:$0x3FFC];
	_ =	sdelay $0x3  }
0xc: {  	_ =	strace s3  }
0xd: {  	s3 =	sld [smem:$0x3FFD];
	_ =	sdelay $0x3  }
0xe: {  	_ =	strace s3  }
0xf: {  	_ =	strace $0x8FFFFFFF  }
0x10: {  	s20 =	sld [smem:$0x3FDB];
	_ =	sdelay $0x1  }
0x11: {  	s4 =	simm.s32 $_scs_section_size  }
0x12: {  	s5 =	simm.s32 $_size__tile_overlayer_lowered;
	s6 =	simm.s32 $_tile_overlayer_lowered  }
0x13: {  	s23 =	simm.s32 $0x1BFF;
	s22 =	sshll.u32 s6, $0x1;
	s3 =	sadd.s32 s4, s20  }
0x14: {  	s7 =	simm.s32 $0x0;
	s21 =	sshll.u32 s5, $0x1;
	s5 =	sadd.s32 s22, s3  }
0x15: {  	[timem:s7], [sflag:s23] =	dma.local [hbm:s5], s21  }
0x16: {  	_ =	swait.ge [sflag:s23], s21  }
0x17: {  	s4 =	ssub.s32 $0x0, s21;
	[sflag:s23] =	ssyncset.done $0x0  }
0x18: {  	[sflag:s23] =	ssyncadd.s32 s4;
	_ =	sdelay $0x1  }
0x19: {  	s24 =	simm.s32 $0x1B8B  }
0x1a: {  	_ =	swait.ge [sflag:s24], $0x1  }
0x1b: {  	[sflag:s24] =	ssyncset.done $0x0  }
0x1c: {  	s26 =	simm.s32 $0x1B8E;
	s25 =	sld [smem:$0x3FFE];
	[sflag:s24] =	ssyncadd.s32 $0xFFFFFFFF  }
0x1d: {  	s27 =	simm.s32 $execute0_lowered;
	[smem:$0x3FD2] =	sst s26  }
0x1e: {  	s5 =	sshll.u32 s27, $0x1;
	_ =	strace $0x80000049;
	[dreg:$0x1] =	wrdreg $0xFFFFFFFF  }
0x1f: {  	s28 =	simm.s32 $_size_execute0_lowered;
	s3 =	sadd.s32 s3, s5;
	[dreg:$0x0] =	wrdreg $0x0  }
0x20: {  	s5 =	sshll.u32 s28, $0x1;
	[dreg:$0x2] =	wrdreg s3  }
0x21: {  	[dreg:$0x3] =	wrdreg s5  }
0x22: {  	[dreg:$0x4] =	wrdreg $0xC0  }
0x23: {  	_ =	task [dreg:s7], $0x5FFFF  }
0x24: {  	[dreg:$0x1] =	wrdreg $0xFFFFFFFF  }
0x25: {  	[dreg:$0x0] =	wrdreg $0x60  }
0x26: {  	[dreg:$0x2] =	wrdreg s25  }
0x27: {  	[dreg:$0x3] =	wrdreg s2  }
0x28: {  	[dreg:$0x4] =	wrdreg $0x9  }
0x29: {  	_ =	task.clear_ibuf [dreg:s7], $0x5FFFF;
	_ =	strace $0x90000049  }
0x2a: {  	s29 =	simm.s32 $0x9;
	_ =	strace $0x8000004B  }
0x2b: {  	_ =	swait.ge [sflag:s29], $0x1  }
0x2c: {  	[sflag:s29] =	ssyncadd.s32 $0xFFFFFFFF  }
0x2d: {  	_ =	strace $0x9000004B  }
0x2e: {  	_ =	sfence  }
0x2f: {  	s30 =	sld [smem:$0x0];
	_ =	sdelay $0x2  }
0x30: {  	s31 =	sshll.u32 s1, $0xD;
	s1 =	sshrl.u32 s1, $0x2  }
0x31: {  	s3 =	sand.u32 $0x4000, s31;
	s1 =	sadd.s32 s1, s30  }
0x32: {  	s0 =	sor.u32 s3, s0;
	s1 =	sshll.u32 s1, $0x11  }
0x33: {  	s0 =	sor.u32 s1, s0  }
0x34: {  	s0 =	sadd.s32 $0x8F2B, s0  }
0x35: {  	[sflag:s0] =	ssyncadd.remote.s32 $0x1  }
0x36: {  	_ =	sfence.sel $0xFFFF  }
0x37: {  	[dreg:$0x0] =	wrdreg $0xFFFFFFFF;
	(pc) =	sbr.abs _section_cstart, $3  }
0x38: {  	[dreg:$0x1] =	wrdreg $0xFFFFFFFF  }
0x39: {  	_ =	task.clear_ibuf [dreg:s7], $0x2FFFF;
	_ =	strace $0x9FFFFFFF  }
0x3a: {  	(tm) =	ssettm $0x7FFFFFFF  }
0x3b: {  	_ =	shalt  }
tec
execute0_lowered:
.L_overlay_start_1:
0x0: {  	(tag) =	ssettag $0x1  }
0x1: {  	s0 =	srdreg.scid  }
0x2: {  	s1 =	sshll.u32 s0, $0x4  }
0x3: {  	s0 =	stileid.u32;
	s1 =	sand.u32 $0x10, s1  }
0x4: {  	s1 =	sor.u32 s0, s1  }
0x5: {  	s6 =	rddreg [dreg:$0x0];
	s4 =	simm.s32 $0x1;
	s2 =	sshll.u32 s1, $0x7  }
0x6: {  	s7 =	simm.s32 $0x2;
	s12 =	simm.s32 $0x0;
	s1 =	ssub.s32 $0x1000, s2  }
0x7: {  	s8 =	simm.s32 $0x8000;
	s13 =	simm.s32 $0x0;
	s3 =	sand.u32 $0xF80, s1  }
0x8: {  	s9 =	simm.s32 $0x0;
	s5 =	sshrl.u32 s1, $0xC;
	p0 =	sne.s32 s3, $0x0  }
.Ltmp0:
0x9: {  	s1 =	rddreg [dreg:$0x2];
	s4 =	simm.s32 @!p0 $0x0;
	(pc) =	sbr.rel .LBB1_1-.Ltmp0, $4  }
0xa: {  	s11 =	simm.s32 $0x0;
	s3 =	rddreg [dreg:$0x1];
	s5 =	sadd.s32 s4, s5  }
0xb: {  	_ =	strace $0x8000004A;
	s4 =	simm.s32 $0x1;
	s5 =	smul.u32 $0xC8, s5  }
0xc: {  	s6 =	sadd.s32 $0xC00, s6;
	s10 =	smov.u32 s2;
	[sflag:s4] =	ssyncpa.u1 $0x0  }
0xd: {  	p0 =	por $0x0, $0x0;
	[sflag:s7] =	ssyncpa.u1 $0x0;
	s7 =	sor.u32 $0x1, s5  }
.LBB1_4:
0xe: {  	s16 =	sshll.u32 s13, $0x3;
	s17 =	sand.u32 $0x78, s13  }
0xf: {  	s30 =	sand.u32 $0x7E00, s13;
	s12 =	sshll.u32 s12, $0xF;
	s16 =	sand.u32 $0xC00, s16  }
0x10: {  	[tilespmem:s15+$0x810 ss:$0x81] =	vst.msk $0xffff, v2;
	s31 =	sand.u32 $0x7, s13;
	s16 =	sor.u32 s17, s16;
	s17 =	sadd.s32 s3, s30  }
0x11: {  	[tilespmem:s15+$0x1020 ss:$0x81] =	vst.msk $0xffff, v0;
	s13 =	sshll.u32 s31, $0x12;
	s12 =	sadd.s32 s12, s17;
	s16 =	sshrl.u32 s16, $0x3  }
0x12: {  	[tilespmem:s15+$0x0 ss:$0x81] =	vst.msk $0xffff, v1;
	s13 =	sor.u32 $0x400, s13;
	s12 =	sadd.s32 s16, s12  }
0x13: {  	[hbm4b:s12+s13] =	stream.strided.scatter [tilespmem:s14], [sflag:$0x2], $0x2000, s8, s13, $0x20;
	[tilespmem:$0x8080] =	vst v63  }
.LBB1_5:
0x14: {  	s14 =	sadd.s32 $0x1, s9  }
0x15: {  	s12 =	sadd.s32 $0x1000, s10;
	s16 =	smov.u32 s10;
	p2 =	sgt.s32 s14, $0xC7  }
0x16: {  	s16 =	smov.u32 @p2 s12  }
0x17: {  	s14 =	simm.s32 @p2 $0x0;
	p2 =	sgt.s32 s16, $0xFFF  }
0x18: {  	s16 =	smov.u32 @p2 s2;
	p2 =	sne.s32 s11, s7  }
.Ltmp1:
0x19: {  	p1 =	slt.u32 s11, $0x2;
	(pc) =	sbr.rel @!p2 .LBB1_6-.Ltmp1, $4  }
0x1a: {  	s15 =	simm.s32 @!p1 $0x2  }
0x1b: {  	s13 =	smov.u32 s10;
	p0 =	por !p0, !p0;
	_ =	swait.ge @!p1 [sflag:s15], $0x2000  }
0x1c: {  	s12 =	smov.u32 s9;
	[sflag:s15] =	ssyncset.done @!p1 $0x0;
	s9 =	smov.u32 s14  }
0x1d: {  	s11 =	sadd.s32 $0x1, s11;
	[sflag:s15] =	ssyncadd.s32 @!p1 $0xFFFFE000;
	s10 =	smov.u32 s16  }
.LBB1_1:
0x1e: {  	p1 =	sge.u32 s11, s5  }
0x1f: {  	s14 =	sand.u32 @!p1 $0x1FFFFFF, s9  }
0x20: {  	s15 =	smulhi.u32 @!p1 $0x147AE15, s14;
	_ =	sdelay $0x1  }
0x21: {  	s15 =	smul.u32 @!p1 $0xC8, s15  }
0x22: {  	s16 =	sxor.u32 @!p1 $0xFFFFFFFF, s11;
	s17 =	smul.u32 @!p1 $0xC80, s10  }
0x23: {  	s31 =	sadd.s32 $0xFFFFFFFF, s11;
	s16 =	sshll.u32 @!p1 s16, $0xD;
	s14 =	ssub.s32 @!p1 s14, s15  }
0x24: {  	s15 =	sand.u32 @!p1 $0x2000, s16;
	s16 =	sadd.s32 @!p1 s6, s17;
	s14 =	sshll.u32 @!p1 s14, $0x4  }
0x25: {  	s17 =	simm.s32 @!p1 $0x6400;
	s14 =	sadd.s32 @!p1 s14, s16;
	s16 =	simm.s32 @!p1 $0x40  }
0x26: {  	[tilespmem:s15], [sflag:$0x1] =	stream.strided.gather @!p1 [hbm4b:s14+s16], $0x2000, s17, s16, $0x38;
	[tilespmem:$0x8080] =	vst v63  }
0x27: {  	p1 =	sge.u32 s31, s5  }
.Ltmp2:
0x28: {  	_ = 	snop;
	(pc) =	sbr.rel @p1 .LBB1_5-.Ltmp2, $1  }
0x29: {  	_ =	sdelay $0x3  }
0x2a: {  	s14 =	simm.s32 $0x1  }
0x2b: {  	_ =	swait.ge [sflag:s4], $0x2000;
	s14 =	simm.s32 @!p0 $0x0  }
0x2c: {  	[sflag:s4] =	ssyncset.done $0x0;
	s15 =	sshll.u32 s14, $0xD  }
0x2d: {  	[sflag:s4] =	ssyncadd.s32 $0xFFFFE000;
	s18 =	sor.u32 $0x20, s15  }
0x2e: {  	s14 =	smul.u32 $0x8100, s14;
	v3 =	vld [tilespmem:s18+$0x10]  }
0x2f: {  	s30 =	sand.u32 $0x1, s11;
	v2 =	vld [tilespmem:s18+$0xFFFFFFF0]  }
0x30: {  	s15 =	smul.u32 $0x8100, s30;
	s14 =	sshrl.u32 s14, $0x2;
	v0 =	vld [tilespmem:s18+$0x0]  }
0x31: {  	v1 =	vld [tilespmem:s18+$0xFFFFFFE0];
	s16 =	sor.u32 $0x4000, s14  }
0x32: {  	s31 =	sshrl.u32 s15, $0x2;
	s15 =	sadd.s32 $0x0, s16  }
0x33: {  	s17 =	simm.s32 $0x4;
	s18 =	sadd.s32 $0x40, s18;
	s14 =	sor.u32 $0x4000, s31;
	[tilespmem:s15+$0x1830 ss:$0x81] =	vst.msk $0xffff, v3  }
.LBB1_3:
0x34: {  	v3 =	vld [tilespmem:s18+$0x10];
	p1 =	sne.s32 s17, $0x1FC;
	[tilespmem:s15+$0x810 ss:$0x81] =	vst.msk $0xffff, v2;
	s19 =	smov.u32 s17;
	s17 =	sadd.s32 $0x4, s17  }
.Ltmp3:
0x35: {  	v2 =	vld [tilespmem:s18+$0xFFFFFFF0];
	[tilespmem:s15+$0x1020 ss:$0x81] =	vst.msk $0xffff, v0;
	(pc) =	sbr.rel @p1 .LBB1_3-.Ltmp3, $4  }
0x36: {  	v0 =	vld [tilespmem:s18+$0x0];
	[tilespmem:s15+$0x0 ss:$0x81] =	vst.msk $0xffff, v1  }
0x37: {  	s15 =	sshra.s32 s19, $0x2;
	v1 =	vld [tilespmem:s18+$0xFFFFFFE0]  }
0x38: {  	s15 =	sadd.s32 s15, s16  }
0x39: {  	s18 =	sadd.s32 $0x40, s18;
	[tilespmem:s15+$0x1830 ss:$0x81] =	vst.msk $0xffff, v3  }
.Ltmp4:
0x3a: {  	_ = 	snop;
	(pc) =	sbr.rel .LBB1_4-.Ltmp4, $1  }
0x3b: {  	_ =	sdelay $0x3  }
.LBB1_6:
0x3c: {  	_ =	sfence.sel $0x180000  }
0x3d: {  	s2 =	simm.s32 $0x1;
	[bflag:$0x0] =	sbarrier.arrive $0xFFFF  }
0x3e: {  	s31 =	simm.s32 $0x2;
	[sflag:s2] =	ssyncpa.u1 $0x1  }
0x3f: {  	[sflag:s31] =	ssyncpa.u1 $0x1  }
0x40: {  	p0 =	sne.s32 s0, $0x0;
	_ =	strace $0x9000004A  }
0x41: {  	s0 =	sadd.s32 @!p0 $0x100000, s1;
	[bflag:$0x2] =	sbarrier.arrive $0xFFFF  }
0x42: {  	[sflag:s0] =	ssyncadd.tile.s32 @!p0 $0x1;
	_ =	shalt  }
.Lfunc_end1:
_tile_overlayer_lowered:
.L_overlay_start_2:
0x43: {  	(tag) =	ssettag $0x2  }
0x44: {  	s0 =	rddreg [dreg:$0x0];
	s2 =	stileid.u32  }
0x45: {  	s1 =	rddreg [dreg:$0x1];
	p0 =	sne.s32 s2, $0x0  }
0x46: {  	s3 =	rddreg [dreg:$0x2];
	[bflag:$0x3] =	sbarrier.arrive $0xFFFF;
	s2 =	simm.s32 @!p0 $0x1C01  }
0x47: {  	[timem:s3], [sflag:s2] =	dma.local @!p0 [hbm:s0], s1  }
0x48: {  	s0 =	simm.s32 @!p0 $0x1  }
0x49: {  	_ =	swait.ge @!p0 [sflag:s0], s1  }
0x4a: {  	s1 =	ssub.s32 @!p0 $0x0, s1;
	[sflag:s0] =	ssyncset.done @!p0 $0x0  }
0x4b: {  	[sflag:s0] =	ssyncadd.s32 @!p0 s1  }
0x4c: {  	[bflag:$0x3] =	sbarrier.arrive $0xFFFF  }
0x4d: {  	_ =	shalt  }

</sc_bundles>
